<compile_context>
chip_gen: v7x
topology: tpu7x:2x2x1
jax: 0.10.2.dev20260603
libtpu: 0.0.44.dev20260713+nightly
codegen_flags: <defaults>
</compile_context>

<pallas_src>
import functools

import jax
import jax.numpy as jnp
from jax import lax
from jax.experimental import pallas as pl
from jax.experimental.pallas import tpu as pltpu
from jax.experimental.pallas import tpu_sc as plsc

N = 10000
NP = 10240
E = 320000
D = 128
G = 64

NC = 2
NS = 16
NW = NC * NS
CH = 128
NCHUNK = 80
EP = NW * NCHUNK * CH
RPT = NP // NS

_sc_mesh = plsc.VectorSubcoreMesh(core_axis_name="c", subcore_axis_name="s")


@functools.partial(
    pl.kernel,
    out_type=jax.ShapeDtypeStruct((NC * NP, D), jnp.float32),
    mesh=_sc_mesh,
    scratch_types=[
        pltpu.VMEM((NCHUNK, CH), jnp.int32),
        pltpu.VMEM((NCHUNK, CH), jnp.int32),
        pltpu.VMEM((CH, D), jnp.float32),
        pltpu.VMEM_SHARED((NP, D), jnp.float32),
        pltpu.SemaphoreType.DMA,
    ],
)
def _sc_segment_sum(h_hbm, src_hbm, dst_hbm, zeros_hbm, out_hbm,
                    srcbuf, dstbuf, rows, acc, sem):
    c = lax.axis_index("c")
    s = lax.axis_index("s")
    w = s * NC + c
    pltpu.sync_copy(src_hbm.at[w], srcbuf)
    pltpu.sync_copy(dst_hbm.at[w], dstbuf)
    pltpu.sync_copy(zeros_hbm, acc.at[pl.ds(s * RPT, RPT)])
    plsc.subcore_barrier()

    def body(j, carry):
        pltpu.async_copy(h_hbm.at[srcbuf.at[j]], rows, sem).wait()
        pltpu.sync_copy(rows, acc.at[dstbuf.at[j]], add=True)
        return carry

    lax.fori_loop(0, NCHUNK, body, 0)
    plsc.subcore_barrier()
    pltpu.sync_copy(acc.at[pl.ds(s * RPT, RPT)],
                    out_hbm.at[pl.ds(c * NP + s * RPT, RPT)])


BN = 2048
NBLK = NP // BN


def _dense_body(relu, a_ref, h_ref, wl_ref, wr_ref, b_ref, o_ref):
    agg = a_ref[0] + a_ref[1]
    y = (jnp.dot(agg, wl_ref[...], preferred_element_type=jnp.float32)
         + jnp.dot(h_ref[...], wr_ref[...], preferred_element_type=jnp.float32)
         + b_ref[...])
    o_ref[...] = jnp.maximum(y, 0.0) if relu else y


def _dense_layer(a2, h, wl, wr, b, relu):
    body = functools.partial(_dense_body, relu)
    return pl.pallas_call(
        body,
        grid=(NBLK,),
        in_specs=[
            pl.BlockSpec((2, BN, D), lambda i: (0, i, 0)),
            pl.BlockSpec((BN, D), lambda i: (i, 0)),
            pl.BlockSpec((D, D), lambda i: (0, 0)),
            pl.BlockSpec((D, D), lambda i: (0, 0)),
            pl.BlockSpec((1, D), lambda i: (0, 0)),
        ],
        out_specs=pl.BlockSpec((BN, D), lambda i: (i, 0)),
        out_shape=jax.ShapeDtypeStruct((NP, D), jnp.float32),
    )(a2, h, wl, wr, b)


def _final_body(a_ref, h_ref, wl_ref, wr_ref, b_ref, batch_ref,
                wlin_ref, blin_ref, o_ref):
    i = pl.program_id(0)

    @pl.when(i == 0)
    def _():
        o_ref[...] = jnp.zeros_like(o_ref)

    agg = a_ref[0] + a_ref[1]
    h3 = (jnp.dot(agg, wl_ref[...], preferred_element_type=jnp.float32)
          + jnp.dot(h_ref[...], wr_ref[...], preferred_element_type=jnp.float32)
          + b_ref[...])
    seg = batch_ref[0]
    onehot = (lax.broadcasted_iota(jnp.int32, (G, BN), 0) == seg).astype(jnp.float32)
    o_ref[...] += jnp.dot(onehot, h3, preferred_element_type=jnp.float32)

    @pl.when(i == NBLK - 1)
    def _():
        o_ref[...] = (jnp.dot(o_ref[...], wlin_ref[...],
                              preferred_element_type=jnp.float32)
                      + blin_ref[...])


def _final_layer(a2, h, wl, wr, b, batch3, wlin_pad, blin_pad):
    return pl.pallas_call(
        _final_body,
        grid=(NBLK,),
        in_specs=[
            pl.BlockSpec((2, BN, D), lambda i: (0, i, 0)),
            pl.BlockSpec((BN, D), lambda i: (i, 0)),
            pl.BlockSpec((D, D), lambda i: (0, 0)),
            pl.BlockSpec((D, D), lambda i: (0, 0)),
            pl.BlockSpec((1, D), lambda i: (0, 0)),
            pl.BlockSpec((1, 1, BN), lambda i: (i, 0, 0)),
            pl.BlockSpec((D, D), lambda i: (0, 0)),
            pl.BlockSpec((1, D), lambda i: (0, 0)),
        ],
        out_specs=pl.BlockSpec((G, D), lambda i: (0, 0)),
        out_shape=jax.ShapeDtypeStruct((G, D), jnp.float32),
    )(a2, h, wl, wr, b, batch3, wlin_pad, blin_pad)


def kernel(x, edge_index, batch, Wl1, Wr1, b1, Wl2, Wr2, b2, Wl3, Wr3, b3,
           Wlin, blin):
    pad = EP - edge_index.shape[1]
    src3 = jnp.concatenate(
        [edge_index[0], jnp.zeros((pad,), jnp.int32)]).reshape(NW, NCHUNK, CH)
    dst3 = jnp.concatenate(
        [edge_index[1], jnp.full((pad,), N, jnp.int32)]).reshape(NW, NCHUNK, CH)
    zeros = jnp.zeros((RPT, D), jnp.float32)
    batch3 = jnp.full((NBLK * BN,), G, jnp.int32).at[:N].set(batch).reshape(NBLK, 1, BN)
    b1r = b1.reshape(1, D)
    b2r = b2.reshape(1, D)
    b3r = b3.reshape(1, D)
    wlin_pad = jnp.zeros((D, D), jnp.float32).at[:, : Wlin.shape[1]].set(Wlin)
    blin_pad = jnp.zeros((1, D), jnp.float32).at[0, : blin.shape[0]].set(blin)

    h = jnp.zeros((NP, D), jnp.float32).at[:N].set(x)
    a = _sc_segment_sum(h, src3, dst3, zeros).reshape(2, NP, D)
    h = _dense_layer(a, h, Wl1, Wr1, b1r, relu=True)
    a = _sc_segment_sum(h, src3, dst3, zeros).reshape(2, NP, D)
    h = _dense_layer(a, h, Wl2, Wr2, b2r, relu=True)
    a = _sc_segment_sum(h, src3, dst3, zeros).reshape(2, NP, D)
    out = _final_layer(a, h, Wl3, Wr3, b3r, batch3, wlin_pad, blin_pad)
    return out[:, : Wlin.shape[1]]

# --- scband reference (transcript-rebuilt; emitter-appended) ---
"""Pipeline reference for scband-mpnn-79628693668166 (READ-ONLY COPY).

The authoritative reference and input builder live on the scoring server;
editing this copy changes nothing except your own understanding.
"""

import jax, jax.numpy as jnp
import numpy as np

N = 10000
E = 320000
D = 128
H = 128
C = 10
G = 64


def _lin_init(k, fan_in, fan_out):
    bound = 1.0 / np.sqrt(fan_in)
    return jax.random.uniform(k, (fan_in, fan_out), minval=-bound, maxval=bound, dtype=jnp.float32)


def setup_inputs(seed: int = 0) -> dict:
    key = jax.random.key(seed)
    ks = jax.random.split(key, 16)
    x = jax.random.normal(ks[0], (N, D), dtype=jnp.float32)
    edge_index = jax.random.randint(ks[1], (2, E), 0, N, dtype=jnp.int32)
    batch = jnp.sort(jax.random.randint(ks[2], (N,), 0, G, dtype=jnp.int32))
    return {
        "x": x,
        "edge_index": edge_index,
        "batch": batch,
        "Wl1": _lin_init(ks[3], D, H), "Wr1": _lin_init(ks[4], D, H), "b1": jnp.zeros((H,), jnp.float32),
        "Wl2": _lin_init(ks[5], H, H), "Wr2": _lin_init(ks[6], H, H), "b2": jnp.zeros((H,), jnp.float32),
        "Wl3": _lin_init(ks[7], H, H), "Wr3": _lin_init(ks[8], H, H), "b3": jnp.zeros((H,), jnp.float32),
        "Wlin": _lin_init(ks[9], H, C), "blin": jnp.zeros((C,), jnp.float32),
    }


def _sage(x, src, dst, Wl, Wr, b):
    # PyG SAGEConv with aggr='sum': out = lin_l(sum_{j in N(i)} x_j) + lin_r(x_i)
    msg = jnp.take(x, src, axis=0)
    agg = jax.ops.segment_sum(msg, dst, num_segments=N)
    return agg @ Wl + x @ Wr + b


def reference(x, edge_index, batch, Wl1, Wr1, b1, Wl2, Wr2, b2, Wl3, Wr3, b3, Wlin, blin):
    src, dst = edge_index[0], edge_index[1]
    h = jax.nn.relu(_sage(x, src, dst, Wl1, Wr1, b1))
    h = jax.nn.relu(_sage(h, src, dst, Wl2, Wr2, b2))
    h = _sage(h, src, dst, Wl3, Wr3, b3)
    pooled = jax.ops.segment_sum(h, batch, num_segments=G)  # global_add_pool
    # F.dropout(p=0.5, training=False) is identity in eval mode
    return pooled @ Wlin + blin

if __name__ == "__main__":
    import jax
    _d = setup_inputs()
    print(jax.jit(kernel)(*tuple(_d.values())))

</pallas_src>

<mosaic_0001>
#map = affine_map<(d0, d1) -> (0, 0)>
#map1 = affine_map<(d0, d1) -> (0, 0, 0)>
module attributes {stable_mosaic.version = 14 : i64} {
  func.func @_sc_segment_sum(%arg0: i32, %arg1: i32, %arg2: memref<10240x128xf32, #tpu.memory_space<hbm>>, %arg3: memref<32x80x128xi32, #tpu.memory_space<hbm>>, %arg4: memref<32x80x128xi32, #tpu.memory_space<hbm>>, %arg5: memref<640x128xf32, #tpu.memory_space<hbm>>, %arg6: memref<20480x128xf32, #tpu.memory_space<hbm>>, %arg7: memref<80x128xi32, #tpu.memory_space<vmem>>, %arg8: memref<80x128xi32, #tpu.memory_space<vmem>>, %arg9: memref<128x128xf32, #tpu.memory_space<vmem>>, %arg10: memref<10240x128xf32, #tpu.memory_space<vmem_shared>>, %arg11: memref<!tpu.dma_semaphore, #tpu.memory_space<semaphore_mem>>) attributes {dimension_semantics = [#tpu.dimension_semantics<core_parallel>, #tpu.dimension_semantics<subcore_parallel>], iteration_bounds = array<i64: 2, 16>, scalar_prefetch = 0 : i64, scratch_operands = 5 : i64, tpu.core_type = #tpu.core_type<sc_vector_subcore>, window_params = [{transform_indices = #map}, {transform_indices = #map1}, {transform_indices = #map1}, {transform_indices = #map}, {transform_indices = #map}]} {
    %mul3A = arith.constant 2 : i32
    %mul3A_0 = arith.muli %arg1, %mul3A : i32
    %add3A = arith.addi %mul3A_0, %arg0 : i32
    "tpu.region"() ({
      %run_scoped3A = tpu.sem_alloc : memref<!tpu.dma_semaphore, #tpu.memory_space<semaphore_mem>>
      %dma_start3A = arith.constant 0 : i32
      %dma_start3A_16 = arith.constant 0 : i32
      %dma_start3A_17 = tpu.memref_slice %arg3[%add3A, %dma_start3A, %dma_start3A_16] : memref<32x80x128xi32, #tpu.memory_space<hbm>> -> memref<1x80x128xi32, #tpu.memory_space<hbm>>
      %dma_start3A_18 = tpu.memref_squeeze %dma_start3A_17 : memref<1x80x128xi32, #tpu.memory_space<hbm>> -> memref<80x128xi32, #tpu.memory_space<hbm>>
      %dma_start3A_19 = arith.constant 0 : i32
      %dma_start3A_20 = arith.constant 0 : i32
      %dma_start3A_21 = tpu.memref_slice %arg3[%add3A, %dma_start3A_19, %dma_start3A_20] : memref<32x80x128xi32, #tpu.memory_space<hbm>> -> memref<1x80x128xi32, #tpu.memory_space<hbm>>
      %dma_start3A_22 = tpu.memref_squeeze %dma_start3A_21 : memref<1x80x128xi32, #tpu.memory_space<hbm>> -> memref<80x128xi32, #tpu.memory_space<hbm>>
      tpu.enqueue_dma source(%dma_start3A_22 : memref<80x128xi32, #tpu.memory_space<hbm>>) target(%arg7 : memref<80x128xi32, #tpu.memory_space<vmem>>) target_semaphore(%run_scoped3A : memref<!tpu.dma_semaphore, #tpu.memory_space<semaphore_mem>>)
      %dma_wait3A = arith.constant 0 : i32
      %dma_wait3A_23 = arith.constant 0 : i32
      %dma_wait3A_24 = tpu.memref_slice %arg3[%add3A, %dma_wait3A, %dma_wait3A_23] : memref<32x80x128xi32, #tpu.memory_space<hbm>> -> memref<1x80x128xi32, #tpu.memory_space<hbm>>
      %dma_wait3A_25 = tpu.memref_squeeze %dma_wait3A_24 : memref<1x80x128xi32, #tpu.memory_space<hbm>> -> memref<80x128xi32, #tpu.memory_space<hbm>>
      %dma_wait3A_26 = arith.constant 0 : i32
      %dma_wait3A_27 = arith.constant 0 : i32
      %dma_wait3A_28 = tpu.memref_slice %arg3[%add3A, %dma_wait3A_26, %dma_wait3A_27] : memref<32x80x128xi32, #tpu.memory_space<hbm>> -> memref<1x80x128xi32, #tpu.memory_space<hbm>>
      %dma_wait3A_29 = tpu.memref_squeeze %dma_wait3A_28 : memref<1x80x128xi32, #tpu.memory_space<hbm>> -> memref<80x128xi32, #tpu.memory_space<hbm>>
      tpu.wait_dma2 semaphore(%run_scoped3A : memref<!tpu.dma_semaphore, #tpu.memory_space<semaphore_mem>>) src(%dma_wait3A_29 : memref<80x128xi32, #tpu.memory_space<hbm>>) dst(%arg7 : memref<80x128xi32, #tpu.memory_space<vmem>>)
      tpu.yield
    }) : () -> ()
    "tpu.region"() ({
      %run_scoped3A = tpu.sem_alloc : memref<!tpu.dma_semaphore, #tpu.memory_space<semaphore_mem>>
      %dma_start3A = arith.constant 0 : i32
      %dma_start3A_16 = arith.constant 0 : i32
      %dma_start3A_17 = tpu.memref_slice %arg4[%add3A, %dma_start3A, %dma_start3A_16] : memref<32x80x128xi32, #tpu.memory_space<hbm>> -> memref<1x80x128xi32, #tpu.memory_space<hbm>>
      %dma_start3A_18 = tpu.memref_squeeze %dma_start3A_17 : memref<1x80x128xi32, #tpu.memory_space<hbm>> -> memref<80x128xi32, #tpu.memory_space<hbm>>
      %dma_start3A_19 = arith.constant 0 : i32
      %dma_start3A_20 = arith.constant 0 : i32
      %dma_start3A_21 = tpu.memref_slice %arg4[%add3A, %dma_start3A_19, %dma_start3A_20] : memref<32x80x128xi32, #tpu.memory_space<hbm>> -> memref<1x80x128xi32, #tpu.memory_space<hbm>>
      %dma_start3A_22 = tpu.memref_squeeze %dma_start3A_21 : memref<1x80x128xi32, #tpu.memory_space<hbm>> -> memref<80x128xi32, #tpu.memory_space<hbm>>
      tpu.enqueue_dma source(%dma_start3A_22 : memref<80x128xi32, #tpu.memory_space<hbm>>) target(%arg8 : memref<80x128xi32, #tpu.memory_space<vmem>>) target_semaphore(%run_scoped3A : memref<!tpu.dma_semaphore, #tpu.memory_space<semaphore_mem>>)
      %dma_wait3A = arith.constant 0 : i32
      %dma_wait3A_23 = arith.constant 0 : i32
      %dma_wait3A_24 = tpu.memref_slice %arg4[%add3A, %dma_wait3A, %dma_wait3A_23] : memref<32x80x128xi32, #tpu.memory_space<hbm>> -> memref<1x80x128xi32, #tpu.memory_space<hbm>>
      %dma_wait3A_25 = tpu.memref_squeeze %dma_wait3A_24 : memref<1x80x128xi32, #tpu.memory_space<hbm>> -> memref<80x128xi32, #tpu.memory_space<hbm>>
      %dma_wait3A_26 = arith.constant 0 : i32
      %dma_wait3A_27 = arith.constant 0 : i32
      %dma_wait3A_28 = tpu.memref_slice %arg4[%add3A, %dma_wait3A_26, %dma_wait3A_27] : memref<32x80x128xi32, #tpu.memory_space<hbm>> -> memref<1x80x128xi32, #tpu.memory_space<hbm>>
      %dma_wait3A_29 = tpu.memref_squeeze %dma_wait3A_28 : memref<1x80x128xi32, #tpu.memory_space<hbm>> -> memref<80x128xi32, #tpu.memory_space<hbm>>
      tpu.wait_dma2 semaphore(%run_scoped3A : memref<!tpu.dma_semaphore, #tpu.memory_space<semaphore_mem>>) src(%dma_wait3A_29 : memref<80x128xi32, #tpu.memory_space<hbm>>) dst(%arg8 : memref<80x128xi32, #tpu.memory_space<vmem>>)
      tpu.yield
    }) : () -> ()
    %mul3A_1 = arith.constant 640 : i32
    %mul3A_2 = arith.muli %arg1, %mul3A_1 : i32
    "tpu.region"() ({
      %run_scoped3A = tpu.sem_alloc : memref<!tpu.dma_semaphore, #tpu.memory_space<semaphore_mem>>
      %dma_start3A = arith.constant 0 : i32
      %dma_start3A_16 = tpu.memref_slice %arg10[%mul3A_2, %dma_start3A] : memref<10240x128xf32, #tpu.memory_space<vmem_shared>> -> memref<640x128xf32, #tpu.memory_space<vmem_shared>>
      tpu.enqueue_dma source(%arg5 : memref<640x128xf32, #tpu.memory_space<hbm>>) target(%dma_start3A_16 : memref<640x128xf32, #tpu.memory_space<vmem_shared>>) target_semaphore(%run_scoped3A : memref<!tpu.dma_semaphore, #tpu.memory_space<semaphore_mem>>)
      %dma_wait3A = arith.constant 0 : i32
      %dma_wait3A_17 = tpu.memref_slice %arg10[%mul3A_2, %dma_wait3A] : memref<10240x128xf32, #tpu.memory_space<vmem_shared>> -> memref<640x128xf32, #tpu.memory_space<vmem_shared>>
      tpu.wait_dma2 semaphore(%run_scoped3A : memref<!tpu.dma_semaphore, #tpu.memory_space<semaphore_mem>>) src(%arg5 : memref<640x128xf32, #tpu.memory_space<hbm>>) dst(%dma_wait3A_17 : memref<640x128xf32, #tpu.memory_space<vmem_shared>>)
      tpu.yield
    }) : () -> ()
    %barrier3A = arith.constant 0 : index
    tpu.barrier barrier_id(%barrier3A)
    %scan3A = arith.constant 0 : i32
    %scan3A_3 = arith.constant 0 : i32
    %scan3A_4 = arith.constant 80 : i32
    %scan3A_5 = arith.addi %scan3A_3, %scan3A_4 : i32
    %scan3A_6 = arith.constant 1 : i32
    scf.for %scan3A_16 = %scan3A_3 to %scan3A_5 step %scan3A_6  : i32 {
      %dma_start3A = arith.constant 0 : i32
      %dma_start3A_17 = tpu.memref_slice %arg7[%scan3A_16, %dma_start3A] : memref<80x128xi32, #tpu.memory_space<vmem>> -> memref<1x128xi32, #tpu.memory_space<vmem>>
      %dma_start3A_18 = tpu.memref_squeeze %dma_start3A_17 : memref<1x128xi32, #tpu.memory_space<vmem>> -> memref<128xi32, #tpu.memory_space<vmem>>
      %dma_start3A_19 = arith.constant 0 : i32
      %dma_start3A_20 = arith.constant 0 : i32
      %dma_start3A_21 = tpu.memref_slice %arg2[%dma_start3A_19, %dma_start3A_20] : memref<10240x128xf32, #tpu.memory_space<hbm>> -> memref<10240x128xf32, #tpu.memory_space<hbm>>
      tpu.enqueue_indirect_dma source(%dma_start3A_21 : memref<10240x128xf32, #tpu.memory_space<hbm>>) target(%arg9 : memref<128x128xf32, #tpu.memory_space<vmem>>) offsets(%dma_start3A_18 : memref<128xi32, #tpu.memory_space<vmem>>) semaphore(%arg11 : memref<!tpu.dma_semaphore, #tpu.memory_space<semaphore_mem>>)
      %dma_wait3A = arith.constant 0 : i32
      %dma_wait3A_22 = tpu.memref_slice %arg7[%scan3A_16, %dma_wait3A] : memref<80x128xi32, #tpu.memory_space<vmem>> -> memref<1x128xi32, #tpu.memory_space<vmem>>
      %dma_wait3A_23 = tpu.memref_squeeze %dma_wait3A_22 : memref<1x128xi32, #tpu.memory_space<vmem>> -> memref<128xi32, #tpu.memory_space<vmem>>
      %dma_wait3A_24 = arith.constant 0 : i32
      %dma_wait3A_25 = arith.constant 0 : i32
      %dma_wait3A_26 = tpu.memref_slice %arg2[%dma_wait3A_24, %dma_wait3A_25] : memref<10240x128xf32, #tpu.memory_space<hbm>> -> memref<10240x128xf32, #tpu.memory_space<hbm>>
      tpu.wait_indirect_dma semaphore(%arg11 : memref<!tpu.dma_semaphore, #tpu.memory_space<semaphore_mem>>) src(%dma_wait3A_26 : memref<10240x128xf32, #tpu.memory_space<hbm>>) dst(%arg9 : memref<128x128xf32, #tpu.memory_space<vmem>>)
      "tpu.region"() ({
        %run_scoped3A = tpu.sem_alloc : memref<!tpu.dma_semaphore, #tpu.memory_space<semaphore_mem>>
        %dma_start3A_27 = arith.constant 0 : i32
        %dma_start3A_28 = tpu.memref_slice %arg8[%scan3A_16, %dma_start3A_27] : memref<80x128xi32, #tpu.memory_space<vmem>> -> memref<1x128xi32, #tpu.memory_space<vmem>>
        %dma_start3A_29 = tpu.memref_squeeze %dma_start3A_28 : memref<1x128xi32, #tpu.memory_space<vmem>> -> memref<128xi32, #tpu.memory_space<vmem>>
        %dma_start3A_30 = arith.constant 0 : i32
        %dma_start3A_31 = arith.constant 0 : i32
        %dma_start3A_32 = tpu.memref_slice %arg10[%dma_start3A_30, %dma_start3A_31] : memref<10240x128xf32, #tpu.memory_space<vmem_shared>> -> memref<10240x128xf32, #tpu.memory_space<vmem_shared>>
        tpu.enqueue_indirect_dma source(%arg9 : memref<128x128xf32, #tpu.memory_space<vmem>>) target(%dma_start3A_32 : memref<10240x128xf32, #tpu.memory_space<vmem_shared>>) offsets(%dma_start3A_29 : memref<128xi32, #tpu.memory_space<vmem>>) semaphore(%run_scoped3A : memref<!tpu.dma_semaphore, #tpu.memory_space<semaphore_mem>>) {add = true}
        %dma_wait3A_33 = arith.constant 0 : i32
        %dma_wait3A_34 = tpu.memref_slice %arg8[%scan3A_16, %dma_wait3A_33] : memref<80x128xi32, #tpu.memory_space<vmem>> -> memref<1x128xi32, #tpu.memory_space<vmem>>
        %dma_wait3A_35 = tpu.memref_squeeze %dma_wait3A_34 : memref<1x128xi32, #tpu.memory_space<vmem>> -> memref<128xi32, #tpu.memory_space<vmem>>
        %dma_wait3A_36 = arith.constant 0 : i32
        %dma_wait3A_37 = arith.constant 0 : i32
        %dma_wait3A_38 = tpu.memref_slice %arg10[%dma_wait3A_36, %dma_wait3A_37] : memref<10240x128xf32, #tpu.memory_space<vmem_shared>> -> memref<10240x128xf32, #tpu.memory_space<vmem_shared>>
        tpu.wait_indirect_dma semaphore(%run_scoped3A : memref<!tpu.dma_semaphore, #tpu.memory_space<semaphore_mem>>) src(%arg9 : memref<128x128xf32, #tpu.memory_space<vmem>>) dst(%dma_wait3A_38 : memref<10240x128xf32, #tpu.memory_space<vmem_shared>>)
        tpu.yield
      }) : () -> ()
    }
    %scan3A_7 = arith.constant 80 : i32
    %barrier3A_8 = arith.constant 0 : index
    tpu.barrier barrier_id(%barrier3A_8)
    %mul3A_9 = arith.constant 640 : i32
    %mul3A_10 = arith.muli %arg1, %mul3A_9 : i32
    %mul3A_11 = arith.constant 10240 : i32
    %mul3A_12 = arith.muli %arg0, %mul3A_11 : i32
    %mul3A_13 = arith.constant 640 : i32
    %mul3A_14 = arith.muli %arg1, %mul3A_13 : i32
    %add3A_15 = arith.addi %mul3A_12, %mul3A_14 : i32
    "tpu.region"() ({
      %run_scoped3A = tpu.sem_alloc : memref<!tpu.dma_semaphore, #tpu.memory_space<semaphore_mem>>
      %dma_start3A = arith.constant 0 : i32
      %dma_start3A_16 = tpu.memref_slice %arg6[%add3A_15, %dma_start3A] : memref<20480x128xf32, #tpu.memory_space<hbm>> -> memref<640x128xf32, #tpu.memory_space<hbm>>
      %dma_start3A_17 = arith.constant 0 : i32
      %dma_start3A_18 = tpu.memref_slice %arg10[%mul3A_10, %dma_start3A_17] : memref<10240x128xf32, #tpu.memory_space<vmem_shared>> -> memref<640x128xf32, #tpu.memory_space<vmem_shared>>
      tpu.enqueue_dma source(%dma_start3A_18 : memref<640x128xf32, #tpu.memory_space<vmem_shared>>) target(%dma_start3A_16 : memref<640x128xf32, #tpu.memory_space<hbm>>) target_semaphore(%run_scoped3A : memref<!tpu.dma_semaphore, #tpu.memory_space<semaphore_mem>>)
      %dma_wait3A = arith.constant 0 : i32
      %dma_wait3A_19 = tpu.memref_slice %arg6[%add3A_15, %dma_wait3A] : memref<20480x128xf32, #tpu.memory_space<hbm>> -> memref<640x128xf32, #tpu.memory_space<hbm>>
      %dma_wait3A_20 = arith.constant 0 : i32
      %dma_wait3A_21 = tpu.memref_slice %arg10[%mul3A_10, %dma_wait3A_20] : memref<10240x128xf32, #tpu.memory_space<vmem_shared>> -> memref<640x128xf32, #tpu.memory_space<vmem_shared>>
      tpu.wait_dma2 semaphore(%run_scoped3A : memref<!tpu.dma_semaphore, #tpu.memory_space<semaphore_mem>>) src(%dma_wait3A_21 : memref<640x128xf32, #tpu.memory_space<vmem_shared>>) dst(%dma_wait3A_19 : memref<640x128xf32, #tpu.memory_space<hbm>>)
      tpu.yield
    }) : () -> ()
    return
  }
}

#map = affine_map<(d0, d1) -> (0, 0)>
#map1 = affine_map<(d0, d1) -> (0, 0, 0)>
module attributes {stable_mosaic.version = 14 : i64} {
  func.func @_sc_segment_sum(%arg0: i32, %arg1: i32, %arg2: memref<10240x128xf32, #tpu.memory_space<hbm>>, %arg3: memref<32x80x128xi32, #tpu.memory_space<hbm>>, %arg4: memref<32x80x128xi32, #tpu.memory_space<hbm>>, %arg5: memref<640x128xf32, #tpu.memory_space<hbm>>, %arg6: memref<20480x128xf32, #tpu.memory_space<hbm>>, %arg7: memref<80x128xi32, #tpu.memory_space<vmem>>, %arg8: memref<80x128xi32, #tpu.memory_space<vmem>>, %arg9: memref<128x128xf32, #tpu.memory_space<vmem>>, %arg10: memref<10240x128xf32, #tpu.memory_space<vmem_shared>>, %arg11: memref<!tpu.dma_semaphore, #tpu.memory_space<semaphore_mem>>) attributes {dimension_semantics = [#tpu.dimension_semantics<core_parallel>, #tpu.dimension_semantics<subcore_parallel>], iteration_bounds = array<i64: 2, 16>, scalar_prefetch = 0 : i64, scratch_operands = 5 : i64, tpu.core_type = #tpu.core_type<sc_vector_subcore>, window_params = [{transform_indices = #map}, {transform_indices = #map1}, {transform_indices = #map1}, {transform_indices = #map}, {transform_indices = #map}]} {
    %mul3A = arith.constant 2 : i32
    %mul3A_0 = arith.muli %arg1, %mul3A : i32
    %add3A = arith.addi %mul3A_0, %arg0 : i32
    "tpu.region"() ({
      %run_scoped3A = tpu.sem_alloc : memref<!tpu.dma_semaphore, #tpu.memory_space<semaphore_mem>>
      %dma_start3A = arith.constant 0 : i32
      %dma_start3A_16 = arith.constant 0 : i32
      %dma_start3A_17 = tpu.memref_slice %arg3[%add3A, %dma_start3A, %dma_start3A_16] : memref<32x80x128xi32, #tpu.memory_space<hbm>> -> memref<1x80x128xi32, #tpu.memory_space<hbm>>
      %dma_start3A_18 = tpu.memref_squeeze %dma_start3A_17 : memref<1x80x128xi32, #tpu.memory_space<hbm>> -> memref<80x128xi32, #tpu.memory_space<hbm>>
      %dma_start3A_19 = arith.constant 0 : i32
      %dma_start3A_20 = arith.constant 0 : i32
      %dma_start3A_21 = tpu.memref_slice %arg3[%add3A, %dma_start3A_19, %dma_start3A_20] : memref<32x80x128xi32, #tpu.memory_space<hbm>> -> memref<1x80x128xi32, #tpu.memory_space<hbm>>
      %dma_start3A_22 = tpu.memref_squeeze %dma_start3A_21 : memref<1x80x128xi32, #tpu.memory_space<hbm>> -> memref<80x128xi32, #tpu.memory_space<hbm>>
      tpu.enqueue_dma source(%dma_start3A_22 : memref<80x128xi32, #tpu.memory_space<hbm>>) target(%arg7 : memref<80x128xi32, #tpu.memory_space<vmem>>) target_semaphore(%run_scoped3A : memref<!tpu.dma_semaphore, #tpu.memory_space<semaphore_mem>>)
      %dma_wait3A = arith.constant 0 : i32
      %dma_wait3A_23 = arith.constant 0 : i32
      %dma_wait3A_24 = tpu.memref_slice %arg3[%add3A, %dma_wait3A, %dma_wait3A_23] : memref<32x80x128xi32, #tpu.memory_space<hbm>> -> memref<1x80x128xi32, #tpu.memory_space<hbm>>
      %dma_wait3A_25 = tpu.memref_squeeze %dma_wait3A_24 : memref<1x80x128xi32, #tpu.memory_space<hbm>> -> memref<80x128xi32, #tpu.memory_space<hbm>>
      %dma_wait3A_26 = arith.constant 0 : i32
      %dma_wait3A_27 = arith.constant 0 : i32
      %dma_wait3A_28 = tpu.memref_slice %arg3[%add3A, %dma_wait3A_26, %dma_wait3A_27] : memref<32x80x128xi32, #tpu.memory_space<hbm>> -> memref<1x80x128xi32, #tpu.memory_space<hbm>>
      %dma_wait3A_29 = tpu.memref_squeeze %dma_wait3A_28 : memref<1x80x128xi32, #tpu.memory_space<hbm>> -> memref<80x128xi32, #tpu.memory_space<hbm>>
      tpu.wait_dma2 semaphore(%run_scoped3A : memref<!tpu.dma_semaphore, #tpu.memory_space<semaphore_mem>>) src(%dma_wait3A_29 : memref<80x128xi32, #tpu.memory_space<hbm>>) dst(%arg7 : memref<80x128xi32, #tpu.memory_space<vmem>>)
      tpu.yield
    }) : () -> ()
    "tpu.region"() ({
      %run_scoped3A = tpu.sem_alloc : memref<!tpu.dma_semaphore, #tpu.memory_space<semaphore_mem>>
      %dma_start3A = arith.constant 0 : i32
      %dma_start3A_16 = arith.constant 0 : i32
      %dma_start3A_17 = tpu.memref_slice %arg4[%add3A, %dma_start3A, %dma_start3A_16] : memref<32x80x128xi32, #tpu.memory_space<hbm>> -> memref<1x80x128xi32, #tpu.memory_space<hbm>>
      %dma_start3A_18 = tpu.memref_squeeze %dma_start3A_17 : memref<1x80x128xi32, #tpu.memory_space<hbm>> -> memref<80x128xi32, #tpu.memory_space<hbm>>
      %dma_start3A_19 = arith.constant 0 : i32
      %dma_start3A_20 = arith.constant 0 : i32
      %dma_start3A_21 = tpu.memref_slice %arg4[%add3A, %dma_start3A_19, %dma_start3A_20] : memref<32x80x128xi32, #tpu.memory_space<hbm>> -> memref<1x80x128xi32, #tpu.memory_space<hbm>>
      %dma_start3A_22 = tpu.memref_squeeze %dma_start3A_21 : memref<1x80x128xi32, #tpu.memory_space<hbm>> -> memref<80x128xi32, #tpu.memory_space<hbm>>
      tpu.enqueue_dma source(%dma_start3A_22 : memref<80x128xi32, #tpu.memory_space<hbm>>) target(%arg8 : memref<80x128xi32, #tpu.memory_space<vmem>>) target_semaphore(%run_scoped3A : memref<!tpu.dma_semaphore, #tpu.memory_space<semaphore_mem>>)
      %dma_wait3A = arith.constant 0 : i32
      %dma_wait3A_23 = arith.constant 0 : i32
      %dma_wait3A_24 = tpu.memref_slice %arg4[%add3A, %dma_wait3A, %dma_wait3A_23] : memref<32x80x128xi32, #tpu.memory_space<hbm>> -> memref<1x80x128xi32, #tpu.memory_space<hbm>>
      %dma_wait3A_25 = tpu.memref_squeeze %dma_wait3A_24 : memref<1x80x128xi32, #tpu.memory_space<hbm>> -> memref<80x128xi32, #tpu.memory_space<hbm>>
      %dma_wait3A_26 = arith.constant 0 : i32
      %dma_wait3A_27 = arith.constant 0 : i32
      %dma_wait3A_28 = tpu.memref_slice %arg4[%add3A, %dma_wait3A_26, %dma_wait3A_27] : memref<32x80x128xi32, #tpu.memory_space<hbm>> -> memref<1x80x128xi32, #tpu.memory_space<hbm>>
      %dma_wait3A_29 = tpu.memref_squeeze %dma_wait3A_28 : memref<1x80x128xi32, #tpu.memory_space<hbm>> -> memref<80x128xi32, #tpu.memory_space<hbm>>
      tpu.wait_dma2 semaphore(%run_scoped3A : memref<!tpu.dma_semaphore, #tpu.memory_space<semaphore_mem>>) src(%dma_wait3A_29 : memref<80x128xi32, #tpu.memory_space<hbm>>) dst(%arg8 : memref<80x128xi32, #tpu.memory_space<vmem>>)
      tpu.yield
    }) : () -> ()
    %mul3A_1 = arith.constant 640 : i32
    %mul3A_2 = arith.muli %arg1, %mul3A_1 : i32
    "tpu.region"() ({
      %run_scoped3A = tpu.sem_alloc : memref<!tpu.dma_semaphore, #tpu.memory_space<semaphore_mem>>
      %dma_start3A = arith.constant 0 : i32
      %dma_start3A_16 = tpu.memref_slice %arg10[%mul3A_2, %dma_start3A] : memref<10240x128xf32, #tpu.memory_space<vmem_shared>> -> memref<640x128xf32, #tpu.memory_space<vmem_shared>>
      tpu.enqueue_dma source(%arg5 : memref<640x128xf32, #tpu.memory_space<hbm>>) target(%dma_start3A_16 : memref<640x128xf32, #tpu.memory_space<vmem_shared>>) target_semaphore(%run_scoped3A : memref<!tpu.dma_semaphore, #tpu.memory_space<semaphore_mem>>)
      %dma_wait3A = arith.constant 0 : i32
      %dma_wait3A_17 = tpu.memref_slice %arg10[%mul3A_2, %dma_wait3A] : memref<10240x128xf32, #tpu.memory_space<vmem_shared>> -> memref<640x128xf32, #tpu.memory_space<vmem_shared>>
      tpu.wait_dma2 semaphore(%run_scoped3A : memref<!tpu.dma_semaphore, #tpu.memory_space<semaphore_mem>>) src(%arg5 : memref<640x128xf32, #tpu.memory_space<hbm>>) dst(%dma_wait3A_17 : memref<640x128xf32, #tpu.memory_space<vmem_shared>>)
      tpu.yield
    }) : () -> ()
    %barrier3A = arith.constant 0 : index
    tpu.barrier barrier_id(%barrier3A)
    %scan3A = arith.constant 0 : i32
    %scan3A_3 = arith.constant 0 : i32
    %scan3A_4 = arith.constant 80 : i32
    %scan3A_5 = arith.addi %scan3A_3, %scan3A_4 : i32
    %scan3A_6 = arith.constant 1 : i32
    scf.for %scan3A_16 = %scan3A_3 to %scan3A_5 step %scan3A_6  : i32 {
      %dma_start3A = arith.constant 0 : i32
      %dma_start3A_17 = tpu.memref_slice %arg7[%scan3A_16, %dma_start3A] : memref<80x128xi32, #tpu.memory_space<vmem>> -> memref<1x128xi32, #tpu.memory_space<vmem>>
      %dma_start3A_18 = tpu.memref_squeeze %dma_start3A_17 : memref<1x128xi32, #tpu.memory_space<vmem>> -> memref<128xi32, #tpu.memory_space<vmem>>
      %dma_start3A_19 = arith.constant 0 : i32
      %dma_start3A_20 = arith.constant 0 : i32
      %dma_start3A_21 = tpu.memref_slice %arg2[%dma_start3A_19, %dma_start3A_20] : memref<10240x128xf32, #tpu.memory_space<hbm>> -> memref<10240x128xf32, #tpu.memory_space<hbm>>
      tpu.enqueue_indirect_dma source(%dma_start3A_21 : memref<10240x128xf32, #tpu.memory_space<hbm>>) target(%arg9 : memref<128x128xf32, #tpu.memory_space<vmem>>) offsets(%dma_start3A_18 : memref<128xi32, #tpu.memory_space<vmem>>) semaphore(%arg11 : memref<!tpu.dma_semaphore, #tpu.memory_space<semaphore_mem>>)
      %dma_wait3A = arith.constant 0 : i32
      %dma_wait3A_22 = tpu.memref_slice %arg7[%scan3A_16, %dma_wait3A] : memref<80x128xi32, #tpu.memory_space<vmem>> -> memref<1x128xi32, #tpu.memory_space<vmem>>
      %dma_wait3A_23 = tpu.memref_squeeze %dma_wait3A_22 : memref<1x128xi32, #tpu.memory_space<vmem>> -> memref<128xi32, #tpu.memory_space<vmem>>
      %dma_wait3A_24 = arith.constant 0 : i32
      %dma_wait3A_25 = arith.constant 0 : i32
      %dma_wait3A_26 = tpu.memref_slice %arg2[%dma_wait3A_24, %dma_wait3A_25] : memref<10240x128xf32, #tpu.memory_space<hbm>> -> memref<10240x128xf32, #tpu.memory_space<hbm>>
      tpu.wait_indirect_dma semaphore(%arg11 : memref<!tpu.dma_semaphore, #tpu.memory_space<semaphore_mem>>) src(%dma_wait3A_26 : memref<10240x128xf32, #tpu.memory_space<hbm>>) dst(%arg9 : memref<128x128xf32, #tpu.memory_space<vmem>>)
      "tpu.region"() ({
        %run_scoped3A = tpu.sem_alloc : memref<!tpu.dma_semaphore, #tpu.memory_space<semaphore_mem>>
        %dma_start3A_27 = arith.constant 0 : i32
        %dma_start3A_28 = tpu.memref_slice %arg8[%scan3A_16, %dma_start3A_27] : memref<80x128xi32, #tpu.memory_space<vmem>> -> memref<1x128xi32, #tpu.memory_space<vmem>>
        %dma_start3A_29 = tpu.memref_squeeze %dma_start3A_28 : memref<1x128xi32, #tpu.memory_space<vmem>> -> memref<128xi32, #tpu.memory_space<vmem>>
        %dma_start3A_30 = arith.constant 0 : i32
        %dma_start3A_31 = arith.constant 0 : i32
        %dma_start3A_32 = tpu.memref_slice %arg10[%dma_start3A_30, %dma_start3A_31] : memref<10240x128xf32, #tpu.memory_space<vmem_shared>> -> memref<10240x128xf32, #tpu.memory_space<vmem_shared>>
        tpu.enqueue_indirect_dma source(%arg9 : memref<128x128xf32, #tpu.memory_space<vmem>>) target(%dma_start3A_32 : memref<10240x128xf32, #tpu.memory_space<vmem_shared>>) offsets(%dma_start3A_29 : memref<128xi32, #tpu.memory_space<vmem>>) semaphore(%run_scoped3A : memref<!tpu.dma_semaphore, #tpu.memory_space<semaphore_mem>>) {add = true}
        %dma_wait3A_33 = arith.constant 0 : i32
        %dma_wait3A_34 = tpu.memref_slice %arg8[%scan3A_16, %dma_wait3A_33] : memref<80x128xi32, #tpu.memory_space<vmem>> -> memref<1x128xi32, #tpu.memory_space<vmem>>
        %dma_wait3A_35 = tpu.memref_squeeze %dma_wait3A_34 : memref<1x128xi32, #tpu.memory_space<vmem>> -> memref<128xi32, #tpu.memory_space<vmem>>
        %dma_wait3A_36 = arith.constant 0 : i32
        %dma_wait3A_37 = arith.constant 0 : i32
        %dma_wait3A_38 = tpu.memref_slice %arg10[%dma_wait3A_36, %dma_wait3A_37] : memref<10240x128xf32, #tpu.memory_space<vmem_shared>> -> memref<10240x128xf32, #tpu.memory_space<vmem_shared>>
        tpu.wait_indirect_dma semaphore(%run_scoped3A : memref<!tpu.dma_semaphore, #tpu.memory_space<semaphore_mem>>) src(%arg9 : memref<128x128xf32, #tpu.memory_space<vmem>>) dst(%dma_wait3A_38 : memref<10240x128xf32, #tpu.memory_space<vmem_shared>>)
        tpu.yield
      }) : () -> ()
    }
    %scan3A_7 = arith.constant 80 : i32
    %barrier3A_8 = arith.constant 0 : index
    tpu.barrier barrier_id(%barrier3A_8)
    %mul3A_9 = arith.constant 640 : i32
    %mul3A_10 = arith.muli %arg1, %mul3A_9 : i32
    %mul3A_11 = arith.constant 10240 : i32
    %mul3A_12 = arith.muli %arg0, %mul3A_11 : i32
    %mul3A_13 = arith.constant 640 : i32
    %mul3A_14 = arith.muli %arg1, %mul3A_13 : i32
    %add3A_15 = arith.addi %mul3A_12, %mul3A_14 : i32
    "tpu.region"() ({
      %run_scoped3A = tpu.sem_alloc : memref<!tpu.dma_semaphore, #tpu.memory_space<semaphore_mem>>
      %dma_start3A = arith.constant 0 : i32
      %dma_start3A_16 = tpu.memref_slice %arg6[%add3A_15, %dma_start3A] : memref<20480x128xf32, #tpu.memory_space<hbm>> -> memref<640x128xf32, #tpu.memory_space<hbm>>
      %dma_start3A_17 = arith.constant 0 : i32
      %dma_start3A_18 = tpu.memref_slice %arg10[%mul3A_10, %dma_start3A_17] : memref<10240x128xf32, #tpu.memory_space<vmem_shared>> -> memref<640x128xf32, #tpu.memory_space<vmem_shared>>
      tpu.enqueue_dma source(%dma_start3A_18 : memref<640x128xf32, #tpu.memory_space<vmem_shared>>) target(%dma_start3A_16 : memref<640x128xf32, #tpu.memory_space<hbm>>) target_semaphore(%run_scoped3A : memref<!tpu.dma_semaphore, #tpu.memory_space<semaphore_mem>>)
      %dma_wait3A = arith.constant 0 : i32
      %dma_wait3A_19 = tpu.memref_slice %arg6[%add3A_15, %dma_wait3A] : memref<20480x128xf32, #tpu.memory_space<hbm>> -> memref<640x128xf32, #tpu.memory_space<hbm>>
      %dma_wait3A_20 = arith.constant 0 : i32
      %dma_wait3A_21 = tpu.memref_slice %arg10[%mul3A_10, %dma_wait3A_20] : memref<10240x128xf32, #tpu.memory_space<vmem_shared>> -> memref<640x128xf32, #tpu.memory_space<vmem_shared>>
      tpu.wait_dma2 semaphore(%run_scoped3A : memref<!tpu.dma_semaphore, #tpu.memory_space<semaphore_mem>>) src(%dma_wait3A_21 : memref<640x128xf32, #tpu.memory_space<vmem_shared>>) dst(%dma_wait3A_19 : memref<640x128xf32, #tpu.memory_space<hbm>>)
      tpu.yield
    }) : () -> ()
    return
  }
}

#map = affine_map<(d0, d1) -> (0, 0)>
#map1 = affine_map<(d0, d1) -> (0, 0, 0)>
module attributes {stable_mosaic.version = 14 : i64} {
  func.func @_sc_segment_sum(%arg0: i32, %arg1: i32, %arg2: memref<10240x128xf32, #tpu.memory_space<hbm>>, %arg3: memref<32x80x128xi32, #tpu.memory_space<hbm>>, %arg4: memref<32x80x128xi32, #tpu.memory_space<hbm>>, %arg5: memref<640x128xf32, #tpu.memory_space<hbm>>, %arg6: memref<20480x128xf32, #tpu.memory_space<hbm>>, %arg7: memref<80x128xi32, #tpu.memory_space<vmem>>, %arg8: memref<80x128xi32, #tpu.memory_space<vmem>>, %arg9: memref<128x128xf32, #tpu.memory_space<vmem>>, %arg10: memref<10240x128xf32, #tpu.memory_space<vmem_shared>>, %arg11: memref<!tpu.dma_semaphore, #tpu.memory_space<semaphore_mem>>) attributes {dimension_semantics = [#tpu.dimension_semantics<core_parallel>, #tpu.dimension_semantics<subcore_parallel>], iteration_bounds = array<i64: 2, 16>, scalar_prefetch = 0 : i64, scratch_operands = 5 : i64, tpu.core_type = #tpu.core_type<sc_vector_subcore>, window_params = [{transform_indices = #map}, {transform_indices = #map1}, {transform_indices = #map1}, {transform_indices = #map}, {transform_indices = #map}]} {
    %mul3A = arith.constant 2 : i32
    %mul3A_0 = arith.muli %arg1, %mul3A : i32
    %add3A = arith.addi %mul3A_0, %arg0 : i32
    "tpu.region"() ({
      %run_scoped3A = tpu.sem_alloc : memref<!tpu.dma_semaphore, #tpu.memory_space<semaphore_mem>>
      %dma_start3A = arith.constant 0 : i32
      %dma_start3A_16 = arith.constant 0 : i32
      %dma_start3A_17 = tpu.memref_slice %arg3[%add3A, %dma_start3A, %dma_start3A_16] : memref<32x80x128xi32, #tpu.memory_space<hbm>> -> memref<1x80x128xi32, #tpu.memory_space<hbm>>
      %dma_start3A_18 = tpu.memref_squeeze %dma_start3A_17 : memref<1x80x128xi32, #tpu.memory_space<hbm>> -> memref<80x128xi32, #tpu.memory_space<hbm>>
      %dma_start3A_19 = arith.constant 0 : i32
      %dma_start3A_20 = arith.constant 0 : i32
      %dma_start3A_21 = tpu.memref_slice %arg3[%add3A, %dma_start3A_19, %dma_start3A_20] : memref<32x80x128xi32, #tpu.memory_space<hbm>> -> memref<1x80x128xi32, #tpu.memory_space<hbm>>
      %dma_start3A_22 = tpu.memref_squeeze %dma_start3A_21 : memref<1x80x128xi32, #tpu.memory_space<hbm>> -> memref<80x128xi32, #tpu.memory_space<hbm>>
      tpu.enqueue_dma source(%dma_start3A_22 : memref<80x128xi32, #tpu.memory_space<hbm>>) target(%arg7 : memref<80x128xi32, #tpu.memory_space<vmem>>) target_semaphore(%run_scoped3A : memref<!tpu.dma_semaphore, #tpu.memory_space<semaphore_mem>>)
      %dma_wait3A = arith.constant 0 : i32
      %dma_wait3A_23 = arith.constant 0 : i32
      %dma_wait3A_24 = tpu.memref_slice %arg3[%add3A, %dma_wait3A, %dma_wait3A_23] : memref<32x80x128xi32, #tpu.memory_space<hbm>> -> memref<1x80x128xi32, #tpu.memory_space<hbm>>
      %dma_wait3A_25 = tpu.memref_squeeze %dma_wait3A_24 : memref<1x80x128xi32, #tpu.memory_space<hbm>> -> memref<80x128xi32, #tpu.memory_space<hbm>>
      %dma_wait3A_26 = arith.constant 0 : i32
      %dma_wait3A_27 = arith.constant 0 : i32
      %dma_wait3A_28 = tpu.memref_slice %arg3[%add3A, %dma_wait3A_26, %dma_wait3A_27] : memref<32x80x128xi32, #tpu.memory_space<hbm>> -> memref<1x80x128xi32, #tpu.memory_space<hbm>>
      %dma_wait3A_29 = tpu.memref_squeeze %dma_wait3A_28 : memref<1x80x128xi32, #tpu.memory_space<hbm>> -> memref<80x128xi32, #tpu.memory_space<hbm>>
      tpu.wait_dma2 semaphore(%run_scoped3A : memref<!tpu.dma_semaphore, #tpu.memory_space<semaphore_mem>>) src(%dma_wait3A_29 : memref<80x128xi32, #tpu.memory_space<hbm>>) dst(%arg7 : memref<80x128xi32, #tpu.memory_space<vmem>>)
      tpu.yield
    }) : () -> ()
    "tpu.region"() ({
      %run_scoped3A = tpu.sem_alloc : memref<!tpu.dma_semaphore, #tpu.memory_space<semaphore_mem>>
      %dma_start3A = arith.constant 0 : i32
      %dma_start3A_16 = arith.constant 0 : i32
      %dma_start3A_17 = tpu.memref_slice %arg4[%add3A, %dma_start3A, %dma_start3A_16] : memref<32x80x128xi32, #tpu.memory_space<hbm>> -> memref<1x80x128xi32, #tpu.memory_space<hbm>>
      %dma_start3A_18 = tpu.memref_squeeze %dma_start3A_17 : memref<1x80x128xi32, #tpu.memory_space<hbm>> -> memref<80x128xi32, #tpu.memory_space<hbm>>
      %dma_start3A_19 = arith.constant 0 : i32
      %dma_start3A_20 = arith.constant 0 : i32
      %dma_start3A_21 = tpu.memref_slice %arg4[%add3A, %dma_start3A_19, %dma_start3A_20] : memref<32x80x128xi32, #tpu.memory_space<hbm>> -> memref<1x80x128xi32, #tpu.memory_space<hbm>>
      %dma_start3A_22 = tpu.memref_squeeze %dma_start3A_21 : memref<1x80x128xi32, #tpu.memory_space<hbm>> -> memref<80x128xi32, #tpu.memory_space<hbm>>
      tpu.enqueue_dma source(%dma_start3A_22 : memref<80x128xi32, #tpu.memory_space<hbm>>) target(%arg8 : memref<80x128xi32, #tpu.memory_space<vmem>>) target_semaphore(%run_scoped3A : memref<!tpu.dma_semaphore, #tpu.memory_space<semaphore_mem>>)
      %dma_wait3A = arith.constant 0 : i32
      %dma_wait3A_23 = arith.constant 0 : i32
      %dma_wait3A_24 = tpu.memref_slice %arg4[%add3A, %dma_wait3A, %dma_wait3A_23] : memref<32x80x128xi32, #tpu.memory_space<hbm>> -> memref<1x80x128xi32, #tpu.memory_space<hbm>>
      %dma_wait3A_25 = tpu.memref_squeeze %dma_wait3A_24 : memref<1x80x128xi32, #tpu.memory_space<hbm>> -> memref<80x128xi32, #tpu.memory_space<hbm>>
      %dma_wait3A_26 = arith.constant 0 : i32
      %dma_wait3A_27 = arith.constant 0 : i32
      %dma_wait3A_28 = tpu.memref_slice %arg4[%add3A, %dma_wait3A_26, %dma_wait3A_27] : memref<32x80x128xi32, #tpu.memory_space<hbm>> -> memref<1x80x128xi32, #tpu.memory_space<hbm>>
      %dma_wait3A_29 = tpu.memref_squeeze %dma_wait3A_28 : memref<1x80x128xi32, #tpu.memory_space<hbm>> -> memref<80x128xi32, #tpu.memory_space<hbm>>
      tpu.wait_dma2 semaphore(%run_scoped3A : memref<!tpu.dma_semaphore, #tpu.memory_space<semaphore_mem>>) src(%dma_wait3A_29 : memref<80x128xi32, #tpu.memory_space<hbm>>) dst(%arg8 : memref<80x128xi32, #tpu.memory_space<vmem>>)
      tpu.yield
    }) : () -> ()
    %mul3A_1 = arith.constant 640 : i32
    %mul3A_2 = arith.muli %arg1, %mul3A_1 : i32
    "tpu.region"() ({
      %run_scoped3A = tpu.sem_alloc : memref<!tpu.dma_semaphore, #tpu.memory_space<semaphore_mem>>
      %dma_start3A = arith.constant 0 : i32
      %dma_start3A_16 = tpu.memref_slice %arg10[%mul3A_2, %dma_start3A] : memref<10240x128xf32, #tpu.memory_space<vmem_shared>> -> memref<640x128xf32, #tpu.memory_space<vmem_shared>>
      tpu.enqueue_dma source(%arg5 : memref<640x128xf32, #tpu.memory_space<hbm>>) target(%dma_start3A_16 : memref<640x128xf32, #tpu.memory_space<vmem_shared>>) target_semaphore(%run_scoped3A : memref<!tpu.dma_semaphore, #tpu.memory_space<semaphore_mem>>)
      %dma_wait3A = arith.constant 0 : i32
      %dma_wait3A_17 = tpu.memref_slice %arg10[%mul3A_2, %dma_wait3A] : memref<10240x128xf32, #tpu.memory_space<vmem_shared>> -> memref<640x128xf32, #tpu.memory_space<vmem_shared>>
      tpu.wait_dma2 semaphore(%run_scoped3A : memref<!tpu.dma_semaphore, #tpu.memory_space<semaphore_mem>>) src(%arg5 : memref<640x128xf32, #tpu.memory_space<hbm>>) dst(%dma_wait3A_17 : memref<640x128xf32, #tpu.memory_space<vmem_shared>>)
      tpu.yield
    }) : () -> ()
    %barrier3A = arith.constant 0 : index
    tpu.barrier barrier_id(%barrier3A)
    %scan3A = arith.constant 0 : i32
    %scan3A_3 = arith.constant 0 : i32
    %scan3A_4 = arith.constant 80 : i32
    %scan3A_5 = arith.addi %scan3A_3, %scan3A_4 : i32
    %scan3A_6 = arith.constant 1 : i32
    scf.for %scan3A_16 = %scan3A_3 to %scan3A_5 step %scan3A_6  : i32 {
      %dma_start3A = arith.constant 0 : i32
      %dma_start3A_17 = tpu.memref_slice %arg7[%scan3A_16, %dma_start3A] : memref<80x128xi32, #tpu.memory_space<vmem>> -> memref<1x128xi32, #tpu.memory_space<vmem>>
      %dma_start3A_18 = tpu.memref_squeeze %dma_start3A_17 : memref<1x128xi32, #tpu.memory_space<vmem>> -> memref<128xi32, #tpu.memory_space<vmem>>
      %dma_start3A_19 = arith.constant 0 : i32
      %dma_start3A_20 = arith.constant 0 : i32
      %dma_start3A_21 = tpu.memref_slice %arg2[%dma_start3A_19, %dma_start3A_20] : memref<10240x128xf32, #tpu.memory_space<hbm>> -> memref<10240x128xf32, #tpu.memory_space<hbm>>
      tpu.enqueue_indirect_dma source(%dma_start3A_21 : memref<10240x128xf32, #tpu.memory_space<hbm>>) target(%arg9 : memref<128x128xf32, #tpu.memory_space<vmem>>) offsets(%dma_start3A_18 : memref<128xi32, #tpu.memory_space<vmem>>) semaphore(%arg11 : memref<!tpu.dma_semaphore, #tpu.memory_space<semaphore_mem>>)
      %dma_wait3A = arith.constant 0 : i32
      %dma_wait3A_22 = tpu.memref_slice %arg7[%scan3A_16, %dma_wait3A] : memref<80x128xi32, #tpu.memory_space<vmem>> -> memref<1x128xi32, #tpu.memory_space<vmem>>
      %dma_wait3A_23 = tpu.memref_squeeze %dma_wait3A_22 : memref<1x128xi32, #tpu.memory_space<vmem>> -> memref<128xi32, #tpu.memory_space<vmem>>
      %dma_wait3A_24 = arith.constant 0 : i32
      %dma_wait3A_25 = arith.constant 0 : i32
      %dma_wait3A_26 = tpu.memref_slice %arg2[%dma_wait3A_24, %dma_wait3A_25] : memref<10240x128xf32, #tpu.memory_space<hbm>> -> memref<10240x128xf32, #tpu.memory_space<hbm>>
      tpu.wait_indirect_dma semaphore(%arg11 : memref<!tpu.dma_semaphore, #tpu.memory_space<semaphore_mem>>) src(%dma_wait3A_26 : memref<10240x128xf32, #tpu.memory_space<hbm>>) dst(%arg9 : memref<128x128xf32, #tpu.memory_space<vmem>>)
      "tpu.region"() ({
        %run_scoped3A = tpu.sem_alloc : memref<!tpu.dma_semaphore, #tpu.memory_space<semaphore_mem>>
        %dma_start3A_27 = arith.constant 0 : i32
        %dma_start3A_28 = tpu.memref_slice %arg8[%scan3A_16, %dma_start3A_27] : memref<80x128xi32, #tpu.memory_space<vmem>> -> memref<1x128xi32, #tpu.memory_space<vmem>>
        %dma_start3A_29 = tpu.memref_squeeze %dma_start3A_28 : memref<1x128xi32, #tpu.memory_space<vmem>> -> memref<128xi32, #tpu.memory_space<vmem>>
        %dma_start3A_30 = arith.constant 0 : i32
        %dma_start3A_31 = arith.constant 0 : i32
        %dma_start3A_32 = tpu.memref_slice %arg10[%dma_start3A_30, %dma_start3A_31] : memref<10240x128xf32, #tpu.memory_space<vmem_shared>> -> memref<10240x128xf32, #tpu.memory_space<vmem_shared>>
        tpu.enqueue_indirect_dma source(%arg9 : memref<128x128xf32, #tpu.memory_space<vmem>>) target(%dma_start3A_32 : memref<10240x128xf32, #tpu.memory_space<vmem_shared>>) offsets(%dma_start3A_29 : memref<128xi32, #tpu.memory_space<vmem>>) semaphore(%run_scoped3A : memref<!tpu.dma_semaphore, #tpu.memory_space<semaphore_mem>>) {add = true}
        %dma_wait3A_33 = arith.constant 0 : i32
        %dma_wait3A_34 = tpu.memref_slice %arg8[%scan3A_16, %dma_wait3A_33] : memref<80x128xi32, #tpu.memory_space<vmem>> -> memref<1x128xi32, #tpu.memory_space<vmem>>
        %dma_wait3A_35 = tpu.memref_squeeze %dma_wait3A_34 : memref<1x128xi32, #tpu.memory_space<vmem>> -> memref<128xi32, #tpu.memory_space<vmem>>
        %dma_wait3A_36 = arith.constant 0 : i32
        %dma_wait3A_37 = arith.constant 0 : i32
        %dma_wait3A_38 = tpu.memref_slice %arg10[%dma_wait3A_36, %dma_wait3A_37] : memref<10240x128xf32, #tpu.memory_space<vmem_shared>> -> memref<10240x128xf32, #tpu.memory_space<vmem_shared>>
        tpu.wait_indirect_dma semaphore(%run_scoped3A : memref<!tpu.dma_semaphore, #tpu.memory_space<semaphore_mem>>) src(%arg9 : memref<128x128xf32, #tpu.memory_space<vmem>>) dst(%dma_wait3A_38 : memref<10240x128xf32, #tpu.memory_space<vmem_shared>>)
        tpu.yield
      }) : () -> ()
    }
    %scan3A_7 = arith.constant 80 : i32
    %barrier3A_8 = arith.constant 0 : index
    tpu.barrier barrier_id(%barrier3A_8)
    %mul3A_9 = arith.constant 640 : i32
    %mul3A_10 = arith.muli %arg1, %mul3A_9 : i32
    %mul3A_11 = arith.constant 10240 : i32
    %mul3A_12 = arith.muli %arg0, %mul3A_11 : i32
    %mul3A_13 = arith.constant 640 : i32
    %mul3A_14 = arith.muli %arg1, %mul3A_13 : i32
    %add3A_15 = arith.addi %mul3A_12, %mul3A_14 : i32
    "tpu.region"() ({
      %run_scoped3A = tpu.sem_alloc : memref<!tpu.dma_semaphore, #tpu.memory_space<semaphore_mem>>
      %dma_start3A = arith.constant 0 : i32
      %dma_start3A_16 = tpu.memref_slice %arg6[%add3A_15, %dma_start3A] : memref<20480x128xf32, #tpu.memory_space<hbm>> -> memref<640x128xf32, #tpu.memory_space<hbm>>
      %dma_start3A_17 = arith.constant 0 : i32
      %dma_start3A_18 = tpu.memref_slice %arg10[%mul3A_10, %dma_start3A_17] : memref<10240x128xf32, #tpu.memory_space<vmem_shared>> -> memref<640x128xf32, #tpu.memory_space<vmem_shared>>
      tpu.enqueue_dma source(%dma_start3A_18 : memref<640x128xf32, #tpu.memory_space<vmem_shared>>) target(%dma_start3A_16 : memref<640x128xf32, #tpu.memory_space<hbm>>) target_semaphore(%run_scoped3A : memref<!tpu.dma_semaphore, #tpu.memory_space<semaphore_mem>>)
      %dma_wait3A = arith.constant 0 : i32
      %dma_wait3A_19 = tpu.memref_slice %arg6[%add3A_15, %dma_wait3A] : memref<20480x128xf32, #tpu.memory_space<hbm>> -> memref<640x128xf32, #tpu.memory_space<hbm>>
      %dma_wait3A_20 = arith.constant 0 : i32
      %dma_wait3A_21 = tpu.memref_slice %arg10[%mul3A_10, %dma_wait3A_20] : memref<10240x128xf32, #tpu.memory_space<vmem_shared>> -> memref<640x128xf32, #tpu.memory_space<vmem_shared>>
      tpu.wait_dma2 semaphore(%run_scoped3A : memref<!tpu.dma_semaphore, #tpu.memory_space<semaphore_mem>>) src(%dma_wait3A_21 : memref<640x128xf32, #tpu.memory_space<vmem_shared>>) dst(%dma_wait3A_19 : memref<640x128xf32, #tpu.memory_space<hbm>>)
      tpu.yield
    }) : () -> ()
    return
  }
}

module attributes {stable_mosaic.version = 14 : i64} {
  func.func @_dense_body(%arg0: i32, %arg1: memref<2x2048x128xf32, #tpu.memory_space<vmem>>, %arg2: memref<2048x128xf32, #tpu.memory_space<vmem>>, %arg3: memref<128x128xf32, #tpu.memory_space<vmem>>, %arg4: memref<128x128xf32, #tpu.memory_space<vmem>>, %arg5: memref<1x128xf32, #tpu.memory_space<vmem>>, %arg6: memref<2048x128xf32, #tpu.memory_space<vmem>>) attributes {dimension_semantics = [#tpu.dimension_semantics<arbitrary>], iteration_bounds = array<i64: 5>, scalar_prefetch = 0 : i64, scratch_operands = 0 : i64, tpu.core_type = #tpu.core_type<tc>, window_params = [{transform_indices = @transform_0, window_bounds = array<i64: 2, 2048, 128>}, {transform_indices = @transform_1, window_bounds = array<i64: 2048, 128>}, {pipeline_mode = #tpu.pipeline_mode<synchronous>, transform_indices = @transform_2, window_bounds = array<i64: 128, 128>}, {pipeline_mode = #tpu.pipeline_mode<synchronous>, transform_indices = @transform_3, window_bounds = array<i64: 128, 128>}, {pipeline_mode = #tpu.pipeline_mode<synchronous>, transform_indices = @transform_4, window_bounds = array<i64: 1, 128>}, {transform_indices = @transform_5, window_bounds = array<i64: 2048, 128>}]} {
    %get3A = arith.constant 0 : index
    %get3A_0 = arith.constant 0 : index
    %get3A_1 = arith.constant 0 : index
    %get3A_2 = vector.load %arg1[%get3A, %get3A_0, %get3A_1] : memref<2x2048x128xf32, #tpu.memory_space<vmem>>, vector<1x2048x128xf32>
    %get3A_3 = vector.shape_cast %get3A_2 : vector<1x2048x128xf32> to vector<2048x128xf32>
    %get3A_4 = arith.constant 1 : index
    %get3A_5 = arith.constant 0 : index
    %get3A_6 = arith.constant 0 : index
    %get3A_7 = vector.load %arg1[%get3A_4, %get3A_5, %get3A_6] : memref<2x2048x128xf32, #tpu.memory_space<vmem>>, vector<1x2048x128xf32>
    %get3A_8 = vector.shape_cast %get3A_7 : vector<1x2048x128xf32> to vector<2048x128xf32>
    %add3A = arith.addf %get3A_3, %get3A_8 : vector<2048x128xf32>
    %get3A_9 = arith.constant 0 : index
    %get3A_10 = arith.constant 0 : index
    %get3A_11 = vector.load %arg3[%get3A_9, %get3A_10] : memref<128x128xf32, #tpu.memory_space<vmem>>, vector<128x128xf32>
    %dot_general3A = arith.constant dense<0.000000e+00> : vector<2048x128xf32>
    %dot_general3A_12 = tpu.matmul %add3A, %get3A_11, %dot_general3A {dimension_numbers = #tpu.dot_dimension_numbers<[1], [0], [0], [1], [0, 0, 1, 1], [], []>, transpose_lhs_hint = false} : vector<2048x128xf32>, vector<128x128xf32>, vector<2048x128xf32> -> vector<2048x128xf32>
    %get3A_13 = arith.constant 0 : index
    %get3A_14 = arith.constant 0 : index
    %get3A_15 = vector.load %arg2[%get3A_13, %get3A_14] : memref<2048x128xf32, #tpu.memory_space<vmem>>, vector<2048x128xf32>
    %get3A_16 = arith.constant 0 : index
    %get3A_17 = arith.constant 0 : index
    %get3A_18 = vector.load %arg4[%get3A_16, %get3A_17] : memref<128x128xf32, #tpu.memory_space<vmem>>, vector<128x128xf32>
    %dot_general3A_19 = arith.constant dense<0.000000e+00> : vector<2048x128xf32>
    %dot_general3A_20 = tpu.matmul %get3A_15, %get3A_18, %dot_general3A_19 {dimension_numbers = #tpu.dot_dimension_numbers<[1], [0], [0], [1], [0, 0, 1, 1], [], []>, transpose_lhs_hint = false} : vector<2048x128xf32>, vector<128x128xf32>, vector<2048x128xf32> -> vector<2048x128xf32>
    %add3A_21 = arith.addf %dot_general3A_12, %dot_general3A_20 : vector<2048x128xf32>
    %get3A_22 = arith.constant 0 : index
    %get3A_23 = arith.constant 0 : index
    %get3A_24 = vector.load %arg5[%get3A_22, %get3A_23] : memref<1x128xf32, #tpu.memory_space<vmem>>, vector<1x128xf32>
    %add3A_25 = vector.broadcast %get3A_24 : vector<1x128xf32> to vector<2048x128xf32>
    %add3A_26 = arith.addf %add3A_21, %add3A_25 : vector<2048x128xf32>
    %max3A = arith.constant 0.000000e+00 : f32
    %max3A_27 = vector.broadcast %max3A : f32 to vector<2048x128xf32>
    %max3A_28 = arith.maximumf %add3A_26, %max3A_27 : vector<2048x128xf32>
    %swap3A = arith.constant 0 : index
    %swap3A_29 = arith.constant 0 : index
    %swap3A_30 = vector.load %arg6[%swap3A, %swap3A_29] : memref<2048x128xf32, #tpu.memory_space<vmem>>, vector<2048x128xf32>
    tpu.vector_store %arg6[%swap3A, %swap3A_29], %max3A_28 {strides = array<i32>} : memref<2048x128xf32, #tpu.memory_space<vmem>>, vector<2048x128xf32>,
    return
  }
  func.func @transform_0(%arg0: i32) -> (i32, i32, i32) {
    %c0_i32 = arith.constant 0 : i32
    %c0_i32_0 = arith.constant 0 : i32
    %c0_i32_1 = arith.constant 0 : i32
    return %c0_i32, %arg0, %c0_i32_0 : i32, i32, i32
  }
  func.func @transform_1(%arg0: i32) -> (i32, i32) {
    %c0_i32 = arith.constant 0 : i32
    %c0_i32_0 = arith.constant 0 : i32
    return %arg0, %c0_i32 : i32, i32
  }
  func.func @transform_2(%arg0: i32) -> (i32, i32) {
    %c0_i32 = arith.constant 0 : i32
    %c0_i32_0 = arith.constant 0 : i32
    %c0_i32_1 = arith.constant 0 : i32
    return %c0_i32, %c0_i32_0 : i32, i32
  }
  func.func @transform_3(%arg0: i32) -> (i32, i32) {
    %c0_i32 = arith.constant 0 : i32
    %c0_i32_0 = arith.constant 0 : i32
    %c0_i32_1 = arith.constant 0 : i32
    return %c0_i32, %c0_i32_0 : i32, i32
  }
  func.func @transform_4(%arg0: i32) -> (i32, i32) {
    %c0_i32 = arith.constant 0 : i32
    %c0_i32_0 = arith.constant 0 : i32
    %c0_i32_1 = arith.constant 0 : i32
    return %c0_i32, %c0_i32_0 : i32, i32
  }
  func.func @transform_5(%arg0: i32) -> (i32, i32) {
    %c0_i32 = arith.constant 0 : i32
    %c0_i32_0 = arith.constant 0 : i32
    return %arg0, %c0_i32 : i32, i32
  }
}

module attributes {stable_mosaic.version = 14 : i64} {
  func.func @_final_body(%arg0: i32, %arg1: memref<2x2048x128xf32, #tpu.memory_space<vmem>>, %arg2: memref<2048x128xf32, #tpu.memory_space<vmem>>, %arg3: memref<128x128xf32, #tpu.memory_space<vmem>>, %arg4: memref<128x128xf32, #tpu.memory_space<vmem>>, %arg5: memref<1x128xf32, #tpu.memory_space<vmem>>, %arg6: memref<1x1x2048xi32, #tpu.memory_space<vmem>>, %arg7: memref<128x128xf32, #tpu.memory_space<vmem>>, %arg8: memref<1x128xf32, #tpu.memory_space<vmem>>, %arg9: memref<64x128xf32, #tpu.memory_space<vmem>>) attributes {dimension_semantics = [#tpu.dimension_semantics<arbitrary>], iteration_bounds = array<i64: 5>, scalar_prefetch = 0 : i64, scratch_operands = 0 : i64, tpu.core_type = #tpu.core_type<tc>, window_params = [{transform_indices = @transform_0, window_bounds = array<i64: 2, 2048, 128>}, {transform_indices = @transform_1, window_bounds = array<i64: 2048, 128>}, {pipeline_mode = #tpu.pipeline_mode<synchronous>, transform_indices = @transform_2, window_bounds = array<i64: 128, 128>}, {pipeline_mode = #tpu.pipeline_mode<synchronous>, transform_indices = @transform_3, window_bounds = array<i64: 128, 128>}, {pipeline_mode = #tpu.pipeline_mode<synchronous>, transform_indices = @transform_4, window_bounds = array<i64: 1, 128>}, {transform_indices = @transform_5, window_bounds = array<i64: 1, 1, 2048>}, {pipeline_mode = #tpu.pipeline_mode<synchronous>, transform_indices = @transform_6, window_bounds = array<i64: 128, 128>}, {pipeline_mode = #tpu.pipeline_mode<synchronous>, transform_indices = @transform_7, window_bounds = array<i64: 1, 128>}, {pipeline_mode = #tpu.pipeline_mode<synchronous>, transform_indices = @transform_8, window_bounds = array<i64: 64, 128>}]} {
    %eq3A = arith.constant 0 : i32
    %eq3A_0 = arith.cmpi eq, %arg0, %eq3A : i32
    %convert_element_type3A = arith.extui %eq3A_0 : i1 to i32
    %cond3A = arith.constant 0 : i32
    %cond3A_1 = arith.cmpi ne, %convert_element_type3A, %cond3A : i32
    scf.if %cond3A_1 {
      %broadcast_in_dim3A = arith.constant 0.000000e+00 : f32
      %broadcast_in_dim3A_51 = vector.broadcast %broadcast_in_dim3A : f32 to vector<64x128xf32>
      %swap3A_52 = arith.constant 0 : index
      %swap3A_53 = arith.constant 0 : index
      %swap3A_54 = vector.load %arg9[%swap3A_52, %swap3A_53] : memref<64x128xf32, #tpu.memory_space<vmem>>, vector<64x128xf32>
      tpu.vector_store %arg9[%swap3A_52, %swap3A_53], %broadcast_in_dim3A_51 {strides = array<i32>} : memref<64x128xf32, #tpu.memory_space<vmem>>, vector<64x128xf32>,
    } else {
    }
    %get3A = arith.constant 0 : index
    %get3A_2 = arith.constant 0 : index
    %get3A_3 = arith.constant 0 : index
    %get3A_4 = vector.load %arg1[%get3A, %get3A_2, %get3A_3] : memref<2x2048x128xf32, #tpu.memory_space<vmem>>, vector<1x2048x128xf32>
    %get3A_5 = vector.shape_cast %get3A_4 : vector<1x2048x128xf32> to vector<2048x128xf32>
    %get3A_6 = arith.constant 1 : index
    %get3A_7 = arith.constant 0 : index
    %get3A_8 = arith.constant 0 : index
    %get3A_9 = vector.load %arg1[%get3A_6, %get3A_7, %get3A_8] : memref<2x2048x128xf32, #tpu.memory_space<vmem>>, vector<1x2048x128xf32>
    %get3A_10 = vector.shape_cast %get3A_9 : vector<1x2048x128xf32> to vector<2048x128xf32>
    %add3A = arith.addf %get3A_5, %get3A_10 : vector<2048x128xf32>
    %get3A_11 = arith.constant 0 : index
    %get3A_12 = arith.constant 0 : index
    %get3A_13 = vector.load %arg3[%get3A_11, %get3A_12] : memref<128x128xf32, #tpu.memory_space<vmem>>, vector<128x128xf32>
    %dot_general3A = arith.constant dense<0.000000e+00> : vector<2048x128xf32>
    %dot_general3A_14 = tpu.matmul %add3A, %get3A_13, %dot_general3A {dimension_numbers = #tpu.dot_dimension_numbers<[1], [0], [0], [1], [0, 0, 1, 1], [], []>, transpose_lhs_hint = false} : vector<2048x128xf32>, vector<128x128xf32>, vector<2048x128xf32> -> vector<2048x128xf32>
    %get3A_15 = arith.constant 0 : index
    %get3A_16 = arith.constant 0 : index
    %get3A_17 = vector.load %arg2[%get3A_15, %get3A_16] : memref<2048x128xf32, #tpu.memory_space<vmem>>, vector<2048x128xf32>
    %get3A_18 = arith.constant 0 : index
    %get3A_19 = arith.constant 0 : index
    %get3A_20 = vector.load %arg4[%get3A_18, %get3A_19] : memref<128x128xf32, #tpu.memory_space<vmem>>, vector<128x128xf32>
    %dot_general3A_21 = arith.constant dense<0.000000e+00> : vector<2048x128xf32>
    %dot_general3A_22 = tpu.matmul %get3A_17, %get3A_20, %dot_general3A_21 {dimension_numbers = #tpu.dot_dimension_numbers<[1], [0], [0], [1], [0, 0, 1, 1], [], []>, transpose_lhs_hint = false} : vector<2048x128xf32>, vector<128x128xf32>, vector<2048x128xf32> -> vector<2048x128xf32>
    %add3A_23 = arith.addf %dot_general3A_14, %dot_general3A_22 : vector<2048x128xf32>
    %get3A_24 = arith.constant 0 : index
    %get3A_25 = arith.constant 0 : index
    %get3A_26 = vector.load %arg5[%get3A_24, %get3A_25] : memref<1x128xf32, #tpu.memory_space<vmem>>, vector<1x128xf32>
    %add3A_27 = vector.broadcast %get3A_26 : vector<1x128xf32> to vector<2048x128xf32>
    %add3A_28 = arith.addf %add3A_23, %add3A_27 : vector<2048x128xf32>
    %get3A_29 = arith.constant 0 : index
    %get3A_30 = arith.constant 0 : index
    %get3A_31 = arith.constant 0 : index
    %get3A_32 = vector.load %arg6[%get3A_29, %get3A_30, %get3A_31] : memref<1x1x2048xi32, #tpu.memory_space<vmem>>, vector<1x1x2048xi32>
    %get3A_33 = vector.shape_cast %get3A_32 : vector<1x1x2048xi32> to vector<1x2048xi32>
    %iota3A = tpu.iota {dimensions = array<i32: 0>} : vector<64x2048xi32>
    %eq3A_34 = vector.broadcast %get3A_33 : vector<1x2048xi32> to vector<64x2048xi32>
    %eq3A_35 = arith.cmpi eq, %iota3A, %eq3A_34 : vector<64x2048xi32>
    %convert_element_type3A_36 = arith.extui %eq3A_35 : vector<64x2048xi1> to vector<64x2048xi32>
    %convert_element_type3A_37 = arith.sitofp %convert_element_type3A_36 : vector<64x2048xi32> to vector<64x2048xf32>
    %get3A_38 = arith.constant 0 : index
    %get3A_39 = arith.constant 0 : index
    %get3A_40 = vector.load %arg9[%get3A_38, %get3A_39] : memref<64x128xf32, #tpu.memory_space<vmem>>, vector<64x128xf32>
    %dot_general3A_41 = arith.constant dense<0.000000e+00> : vector<64x128xf32>
    %dot_general3A_42 = tpu.matmul %convert_element_type3A_37, %add3A_28, %dot_general3A_41 {dimension_numbers = #tpu.dot_dimension_numbers<[1], [0], [0], [1], [0, 0, 1, 1], [], []>, transpose_lhs_hint = false} : vector<64x2048xf32>, vector<2048x128xf32>, vector<64x128xf32> -> vector<64x128xf32>
    %add3A_43 = arith.addf %get3A_40, %dot_general3A_42 : vector<64x128xf32>
    %swap3A = arith.constant 0 : index
    %swap3A_44 = arith.constant 0 : index
    %swap3A_45 = vector.load %arg9[%swap3A, %swap3A_44] : memref<64x128xf32, #tpu.memory_space<vmem>>, vector<64x128xf32>
    tpu.vector_store %arg9[%swap3A, %swap3A_44], %add3A_43 {strides = array<i32>} : memref<64x128xf32, #tpu.memory_space<vmem>>, vector<64x128xf32>,
    %eq3A_46 = arith.constant 4 : i32
    %eq3A_47 = arith.cmpi eq, %arg0, %eq3A_46 : i32
    %convert_element_type3A_48 = arith.extui %eq3A_47 : i1 to i32
    %cond3A_49 = arith.constant 0 : i32
    %cond3A_50 = arith.cmpi ne, %convert_element_type3A_48, %cond3A_49 : i32
    scf.if %cond3A_50 {
      %get3A_51 = arith.constant 0 : index
      %get3A_52 = arith.constant 0 : index
      %get3A_53 = vector.load %arg9[%get3A_51, %get3A_52] : memref<64x128xf32, #tpu.memory_space<vmem>>, vector<64x128xf32>
      %get3A_54 = arith.constant 0 : index
      %get3A_55 = arith.constant 0 : index
      %get3A_56 = vector.load %arg7[%get3A_54, %get3A_55] : memref<128x128xf32, #tpu.memory_space<vmem>>, vector<128x128xf32>
      %dot_general3A_57 = arith.constant dense<0.000000e+00> : vector<64x128xf32>
      %dot_general3A_58 = tpu.matmul %get3A_53, %get3A_56, %dot_general3A_57 {dimension_numbers = #tpu.dot_dimension_numbers<[1], [0], [0], [1], [0, 0, 1, 1], [], []>, transpose_lhs_hint = false} : vector<64x128xf32>, vector<128x128xf32>, vector<64x128xf32> -> vector<64x128xf32>
      %get3A_59 = arith.constant 0 : index
      %get3A_60 = arith.constant 0 : index
      %get3A_61 = vector.load %arg8[%get3A_59, %get3A_60] : memref<1x128xf32, #tpu.memory_space<vmem>>, vector<1x128xf32>
      %add3A_62 = vector.broadcast %get3A_61 : vector<1x128xf32> to vector<64x128xf32>
      %add3A_63 = arith.addf %dot_general3A_58, %add3A_62 : vector<64x128xf32>
      %swap3A_64 = arith.constant 0 : index
      %swap3A_65 = arith.constant 0 : index
      %swap3A_66 = vector.load %arg9[%swap3A_64, %swap3A_65] : memref<64x128xf32, #tpu.memory_space<vmem>>, vector<64x128xf32>
      tpu.vector_store %arg9[%swap3A_64, %swap3A_65], %add3A_63 {strides = array<i32>} : memref<64x128xf32, #tpu.memory_space<vmem>>, vector<64x128xf32>,
    } else {
    }
    return
  }
  func.func @transform_0(%arg0: i32) -> (i32, i32, i32) {
    %c0_i32 = arith.constant 0 : i32
    %c0_i32_0 = arith.constant 0 : i32
    %c0_i32_1 = arith.constant 0 : i32
    return %c0_i32, %arg0, %c0_i32_0 : i32, i32, i32
  }
  func.func @transform_1(%arg0: i32) -> (i32, i32) {
    %c0_i32 = arith.constant 0 : i32
    %c0_i32_0 = arith.constant 0 : i32
    return %arg0, %c0_i32 : i32, i32
  }
  func.func @transform_2(%arg0: i32) -> (i32, i32) {
    %c0_i32 = arith.constant 0 : i32
    %c0_i32_0 = arith.constant 0 : i32
    %c0_i32_1 = arith.constant 0 : i32
    return %c0_i32, %c0_i32_0 : i32, i32
  }
  func.func @transform_3(%arg0: i32) -> (i32, i32) {
    %c0_i32 = arith.constant 0 : i32
    %c0_i32_0 = arith.constant 0 : i32
    %c0_i32_1 = arith.constant 0 : i32
    return %c0_i32, %c0_i32_0 : i32, i32
  }
  func.func @transform_4(%arg0: i32) -> (i32, i32) {
    %c0_i32 = arith.constant 0 : i32
    %c0_i32_0 = arith.constant 0 : i32
    %c0_i32_1 = arith.constant 0 : i32
    return %c0_i32, %c0_i32_0 : i32, i32
  }
  func.func @transform_5(%arg0: i32) -> (i32, i32, i32) {
    %c0_i32 = arith.constant 0 : i32
    %c0_i32_0 = arith.constant 0 : i32
    %c0_i32_1 = arith.constant 0 : i32
    return %arg0, %c0_i32, %c0_i32_0 : i32, i32, i32
  }
  func.func @transform_6(%arg0: i32) -> (i32, i32) {
    %c0_i32 = arith.constant 0 : i32
    %c0_i32_0 = arith.constant 0 : i32
    %c0_i32_1 = arith.constant 0 : i32
    return %c0_i32, %c0_i32_0 : i32, i32
  }
  func.func @transform_7(%arg0: i32) -> (i32, i32) {
    %c0_i32 = arith.constant 0 : i32
    %c0_i32_0 = arith.constant 0 : i32
    %c0_i32_1 = arith.constant 0 : i32
    return %c0_i32, %c0_i32_0 : i32, i32
  }
  func.func @transform_8(%arg0: i32) -> (i32, i32) {
    %c0_i32 = arith.constant 0 : i32
    %c0_i32_0 = arith.constant 0 : i32
    %c0_i32_1 = arith.constant 0 : i32
    return %c0_i32, %c0_i32_0 : i32, i32
  }
}

</mosaic_0001>

<sc_bundles>
// kernel: kernel.11.cloned.1.call-start
scs
__scs_entry_jumppad:
0x0: {  	(pc) =	sbr.rel $0x88, $3  }
0x1: {  	(tag) =	ssettag $0x0;
	lr =	simm.s32 $0x1  }
0x2: {  	[smem:$0x3F93] =	sst lr;
	_ =	strace $0xD0000000  }
0x3: {  	_ = 	snop  }
0x4: {  	_ = 	snop  }
0x5: {  	_ = 	snop  }
0x6: {  	_ = 	snop  }
0x7: {  	_ = 	snop  }
__scs_overlays_trampoline_lowered:
0x8: {  	[smem:$0x3FA2] =	sst s0  }
0x9: {  	[smem:$0x3FA3] =	sst s1  }
0xa: {  	[smem:$0x3FA4] =	sst s2  }
0xb: {  	[smem:$0x3FA5] =	sst s3  }
0xc: {  	[smem:$0x3FA6] =	sst s4  }
0xd: {  	[smem:$0x3FA7] =	sst s5  }
0xe: {  	[smem:$0x3FA8] =	sst s6  }
0xf: {  	[smem:$0x3FA9] =	sst s7  }
0x10: {  	[smem:$0x3FAA] =	sst s8  }
0x11: {  	[smem:$0x3FAB] =	sst s9;
	s0 =	simm.s32 @!p0 $0x0  }
0x12: {  	s1 =	sld [smem:$0x3F91];
	s0 =	simm.s32 @p0 $0x1  }
0x13: {  	[smem:$0x3FAC] =	sst s0;
	s0 =	simm.s32 @!p1 $0x0  }
0x14: {  	s2 =	sld [smem:$0x3F90];
	s0 =	simm.s32 @p1 $0x1  }
0x15: {  	[smem:$0x3FAD] =	sst s0;
	s0 =	simm.s32 @!p2 $0x0  }
0x16: {  	s3 =	sld [smem:$0x3FDB];
	s0 =	simm.s32 @p2 $0x1  }
0x17: {  	s4 =	simm.s32 $0x1BF5;
	[smem:$0x3FAF] =	sst s0  }
0x18: {  	s0 =	sld [smem:$0x3F92];
	_ =	swait.ge [sflag:s4], $0x0  }
0x19: {  	s7 =	sld [smem:$0x3F93]  }
0x1a: {  	s8 =	sadd.s32 $0xFFFFE003, lr  }
0x1b: {  	s9 =	sadd.s32 $0xFFFFFEF7, lr;
	s5 =	simm.s32 $0xFFFFFFFF;
	p2 =	slt.u32 s8, $0xFFFFF086  }
0x1c: {  	p1 =	slt.u32 s9, $0xF7A;
	s5 =	simm.s32 @!p2 $0x0  }
0x1d: {  	s5 =	simm.s32 @p1 $0x1;
	p0 =	seq.s32 s7, s2  }
0x1e: {  	s7 =	smul.u32 @!p0 $0xF7A, s2;
	p2 =	seq.s32 @!p0 s5, $0x0  }
0x1f: {  	s9 =	smul.u32 $0xF7A, s1;
	s8 =	simm.s32 @!p0 $0x1BF5;
	p2 =	por !p2, p0  }
0x20: {  	[sflag:s8] =	ssyncset.s32 @!p0 $0xFFFFF086;
	s6 =	sadd.s32 @!p0 s3, s7;
	s7 =	simm.s32 @!p0 $0x108  }
0x21: {  	s3 =	sadd.s32 s3, s9;
	s6 =	sadd.s32 @!p0 $0x88, s6;
	s7 =	simm.s32 @p2 $0x1082  }
0x22: {  	[simem:s7], [sflag:s8] =	dma.local @!p0 [hbm:s6], $0xF7A  }
0x23: {  	s9 =	sor.u32 $0xD0000000, s2;
	s6 =	simm.s32 $0x108;
	_ =	swait.ge @!p0 [sflag:s8], $0x0  }
0x24: {  	s3 =	sadd.s32 $0x88, s3;
	s6 =	simm.s32 @!p1 $0x1082;
	[sflag:s4] =	ssyncset.s32 $0xFFFFF086  }
0x25: {  	[simem:s6], [sflag:s4] =	dma.local [hbm:s3], $0xF7A  }
0x26: {  	[smem:$0x3F93] =	sst s1;
	(tag) =	ssettag s2;
	_ =	strace s9  }
0x27: {  	s1 =	sld [smem:$0x3FA3]  }
0x28: {  	s2 =	sld [smem:$0x3FA4]  }
0x29: {  	s4 =	sld [smem:$0x3FA6]  }
0x2a: {  	p0 =	seq.s32 s5, $0x0;
	s5 =	sld [smem:$0x3FA7]  }
0x2b: {  	s6 =	sld [smem:$0x3FA8]  }
0x2c: {  	s7 =	sld [smem:$0x3FA9]  }
0x2d: {  	s3 =	simm.s32 $0x108;
	s8 =	sld [smem:$0x3FAA]  }
0x2e: {  	s3 =	simm.s32 @!p0 $0x1082;
	s9 =	sld [smem:$0x3FAB]  }
0x2f: {  	lr =	sadd.s32 s0, s3;
	s0 =	sld [smem:$0x3FA2]  }
0x30: {  	s3 =	sld [smem:$0x3FA5]  }
0x31: {  	[smem:$0x3FAE] =	sst s10  }
0x32: {  	s10 =	sld [smem:$0x3FAC];
	_ =	sdelay $0x3  }
0x33: {  	p0 =	seq.s32 s10, $0x1;
	s10 =	sld [smem:$0x3FAE];
	_ =	sdelay $0x3  }
0x34: {  	[smem:$0x3FAE] =	sst s10  }
0x35: {  	s10 =	sld [smem:$0x3FAD];
	_ =	sdelay $0x3  }
0x36: {  	p1 =	seq.s32 s10, $0x1;
	s10 =	sld [smem:$0x3FAE];
	_ =	sdelay $0x3  }
0x37: {  	[smem:$0x3FAE] =	sst s10  }
0x38: {  	s10 =	sld [smem:$0x3FAF]  }
0x39: {  	_ = 	snop;
	(pc) =	sbr.ind lr, $3  }
0x3a: {  	_ = 	snop  }
0x3b: {  	_ = 	snop  }
0x3c: {  	p2 =	seq.s32 s10, $0x1;
	s10 =	sld [smem:$0x3FAE]  }
0x3d: {  	_ =	shalt  }
0x3e: {  	_ =	shalt  }
0x3f: {  	_ =	shalt  }
0x40: {  	_ =	shalt  }
0x41: {  	_ =	shalt  }
0x42: {  	_ =	shalt  }
0x43: {  	_ =	shalt  }
0x44: {  	_ =	shalt  }
0x45: {  	_ =	shalt  }
0x46: {  	_ =	shalt  }
0x47: {  	_ =	shalt  }
0x48: {  	_ =	shalt  }
0x49: {  	_ =	shalt  }
0x4a: {  	_ =	shalt  }
0x4b: {  	_ =	shalt  }
0x4c: {  	_ =	shalt  }
0x4d: {  	_ =	shalt  }
0x4e: {  	_ =	shalt  }
0x4f: {  	_ =	shalt  }
0x50: {  	_ =	shalt  }
0x51: {  	_ =	shalt  }
0x52: {  	_ =	shalt  }
0x53: {  	_ =	shalt  }
0x54: {  	_ =	shalt  }
0x55: {  	_ =	shalt  }
0x56: {  	_ =	shalt  }
0x57: {  	_ =	shalt  }
0x58: {  	_ =	shalt  }
0x59: {  	_ =	shalt  }
0x5a: {  	_ =	shalt  }
0x5b: {  	_ =	shalt  }
0x5c: {  	_ =	shalt  }
0x5d: {  	_ =	shalt  }
0x5e: {  	_ =	shalt  }
0x5f: {  	_ =	shalt  }
0x60: {  	_ =	shalt  }
0x61: {  	_ =	shalt  }
0x62: {  	_ =	shalt  }
0x63: {  	_ =	shalt  }
0x64: {  	_ =	shalt  }
0x65: {  	_ =	shalt  }
0x66: {  	_ =	shalt  }
0x67: {  	_ =	shalt  }
0x68: {  	_ =	shalt  }
0x69: {  	_ =	shalt  }
0x6a: {  	_ =	shalt  }
0x6b: {  	_ =	shalt  }
0x6c: {  	_ =	shalt  }
0x6d: {  	_ =	shalt  }
0x6e: {  	_ =	shalt  }
0x6f: {  	_ =	shalt  }
0x70: {  	_ =	shalt  }
0x71: {  	_ =	shalt  }
0x72: {  	_ =	shalt  }
0x73: {  	_ =	shalt  }
0x74: {  	_ =	shalt  }
0x75: {  	_ =	shalt  }
0x76: {  	_ =	shalt  }
0x77: {  	_ =	shalt  }
0x78: {  	_ =	shalt  }
0x79: {  	_ =	shalt  }
0x7a: {  	_ =	shalt  }
0x7b: {  	_ =	shalt  }
0x7c: {  	_ =	shalt  }
0x7d: {  	_ =	shalt  }
0x7e: {  	_ =	shalt  }
0x7f: {  	_ =	shalt  }
0x80: {  	_ =	shalt  }
0x81: {  	_ =	shalt  }
0x82: {  	_ =	shalt  }
0x83: {  	_ =	shalt  }
0x84: {  	_ =	shalt  }
0x85: {  	_ =	shalt  }
0x86: {  	_ =	shalt  }
0x87: {  	_ =	shalt  }
.Lfunc_end0:
.L_simem_size_0:
called_computation.1_lowered:
.L_overlay_start_0:
0x88: {  	s2 =	sld [smem:$0x3FD9]  }
0x89: {  	s3 =	sld [smem:$0x3FFE];
	_ =	sdelay $0x1  }
0x8a: {  	s1 =	srdreg.scid  }
0x8b: {  	s0 =	sand.u32 $0x1, s1  }
0x8c: {  	s16 =	sshll.u32 s0, $0xA;
	s2 =	sadd.s32 s3, s2  }
0x8d: {  	s2 =	sadd.s32 s2, s16  }
0x8e: {  	[smem:$0x3FBA] =	sst s2  }
0x8f: {  	_ = 	snop  }
0x90: {  	(tm) =	ssettm $0x1  }
0x91: {  	s17 =	sld [smem:$0x3FFB];
	_ =	sdelay $0x3  }
0x92: {  	_ =	strace s17  }
0x93: {  	s2 =	sld [smem:$0x3FFC];
	_ =	sdelay $0x3  }
0x94: {  	_ =	strace s2  }
0x95: {  	s2 =	sld [smem:$0x3FFD];
	_ =	sdelay $0x3  }
0x96: {  	_ =	strace s2  }
0x97: {  	_ =	strace $0x8FFFFFFF  }
0x98: {  	s18 =	sld [smem:$0x3FDB];
	_ =	sdelay $0x1  }
0x99: {  	s19 =	simm.s32 $_scs_section_size  }
0x9a: {  	s4 =	simm.s32 $_size__tile_overlayer_lowered;
	s5 =	simm.s32 $_tile_overlayer_lowered  }
0x9b: {  	s22 =	simm.s32 $0x1BFF;
	s21 =	sshll.u32 s5, $0x1;
	s2 =	sadd.s32 s19, s18  }
0x9c: {  	s6 =	simm.s32 $0x0;
	s20 =	sshll.u32 s4, $0x1;
	s4 =	sadd.s32 s21, s2  }
0x9d: {  	[timem:s6], [sflag:s22] =	dma.local [hbm:s4], s20  }
0x9e: {  	_ =	swait.ge [sflag:s22], s20  }
0x9f: {  	s3 =	ssub.s32 $0x0, s20;
	[sflag:s22] =	ssyncset.done $0x0  }
0xa0: {  	[sflag:s22] =	ssyncadd.s32 s3;
	_ =	sdelay $0x1  }
0xa1: {  	s23 =	simm.s32 $0x1B8B  }
0xa2: {  	_ =	swait.ge [sflag:s23], $0x1  }
0xa3: {  	[sflag:s23] =	ssyncset.done $0x0  }
0xa4: {  	s25 =	simm.s32 $0x1B8E;
	s24 =	sld [smem:$0x3FFE];
	[sflag:s23] =	ssyncadd.s32 $0xFFFFFFFF  }
0xa5: {  	s26 =	simm.s32 $execute0_lowered;
	[smem:$0x3FD2] =	sst s25  }
0xa6: {  	s4 =	sshll.u32 s26, $0x1;
	_ =	strace $0x80000049;
	[dreg:$0x1] =	wrdreg $0xFFFFFFFF  }
0xa7: {  	s28 =	simm.s32 $_size_execute0_lowered;
	s2 =	sadd.s32 s2, s4;
	[dreg:$0x0] =	wrdreg $0x0  }
0xa8: {  	s4 =	sshll.u32 s28, $0x1;
	[dreg:$0x2] =	wrdreg s2  }
0xa9: {  	[dreg:$0x3] =	wrdreg s4  }
0xaa: {  	[dreg:$0x4] =	wrdreg $0xC0  }
0xab: {  	_ =	task [dreg:s6], $0x5FFFF  }
0xac: {  	[dreg:$0x1] =	wrdreg $0xFFFFFFFF  }
0xad: {  	[dreg:$0x0] =	wrdreg $0x60  }
0xae: {  	[dreg:$0x2] =	wrdreg s24  }
0xaf: {  	[dreg:$0x3] =	wrdreg $0x90000  }
0xb0: {  	[dreg:$0x4] =	wrdreg $0x9  }
0xb1: {  	_ =	task.clear_ibuf [dreg:s6], $0x5FFFF;
	_ =	strace $0x90000049  }
0xb2: {  	s29 =	simm.s32 $0x9;
	_ =	strace $0x8000004B  }
0xb3: {  	_ =	swait.ge [sflag:s29], $0x1  }
0xb4: {  	[sflag:s29] =	ssyncadd.s32 $0xFFFFFFFF  }
0xb5: {  	_ =	strace $0x9000004B  }
0xb6: {  	_ =	sfence  }
0xb7: {  	s30 =	sld [smem:$0x0];
	_ =	sdelay $0x2  }
0xb8: {  	s31 =	sshll.u32 s1, $0xD;
	s1 =	sshrl.u32 s1, $0x2  }
0xb9: {  	s3 =	sand.u32 $0x4000, s31;
	s1 =	sadd.s32 s1, s30  }
0xba: {  	s0 =	sor.u32 s3, s0;
	s1 =	sshll.u32 s1, $0x11  }
0xbb: {  	s0 =	sor.u32 s1, s0  }
0xbc: {  	s0 =	sadd.s32 $0x8F2B, s0  }
0xbd: {  	[sflag:s0] =	ssyncadd.remote.s32 $0x1  }
0xbe: {  	_ =	sfence.sel $0xFFFF  }
0xbf: {  	[dreg:$0x0] =	wrdreg $0xFFFFFFFF;
	(pc) =	sbr.abs _section_cstart, $3  }
0xc0: {  	[dreg:$0x1] =	wrdreg $0xFFFFFFFF  }
0xc1: {  	_ =	task.clear_ibuf [dreg:s6], $0x2FFFF;
	_ =	strace $0x9FFFFFFF  }
0xc2: {  	(tm) =	ssettm $0x7FFFFFFF  }
0xc3: {  	_ =	shalt  }
tec
execute0_lowered:
.L_overlay_start_1:
0x0: {  	(tag) =	ssettag $0x1  }
0x1: {  	s1 =	srdreg.scid;
	s6 =	rddreg [dreg:$0x0]  }
0x2: {  	s0 =	stileid.u32;
	s2 =	rddreg [dreg:$0x1];
	s3 =	simm.s32 $0x0  }
0x3: {  	s14 =	simm.s32 $0x80;
	s15 =	simm.s32 $0x5000;
	s16 =	simm.s32 $0x1  }
0x4: {  	s17 =	simm.s32 $0x0;
	s5 =	sand.u32 $0x1, s1;
	s1 =	rddreg [dreg:$0x2]  }
0x5: {  	s29 =	sshll.u32 s0, $0x1;
	[smem:$0x7FF] =	sst s3;
	s8 =	smul.u32 $0x2800, s0  }
0x6: {  	s11 =	smul.u32 $0x50000, s0;
	s12 =	sshll.u32 s0, $0x6;
	s4 =	sor.u32 s5, s29  }
0x7: {  	_ =	strace $0x8000004A;
	s9 =	smul.u32 $0x28000, s5;
	s10 =	ssub.s32 $0x2, s5  }
0x8: {  	s5 =	sadd.s32 $0x3EE00, s6;
	s12 =	sor.u32 $0x1C02, s12;
	s7 =	smul.u32 $0x500, s4  }
0x9: {  	s4 =	sadd.s32 $0x16E00, s6;
	s30 =	sshrl.u32 s10, $0x1;
	s31 =	sshrl.u32 s11, $0x2  }
0xa: {  	s11 =	simm.s32 $0x2800;
	s8 =	sadd.s32 s8, s9;
	s9 =	ssub.s32 s10, s30  }
0xb: {  	s13 =	sadd.s32 s31, s2;
	s10 =	simm.s32 $0x2;
	s7 =	sadd.s32 s7, s6  }
0xc: {  	s8 =	sadd.s32 s8, s6;
	s9 =	smax.u32 s9, $0x1;
	s13 =	sshrl.u32 s13, $0x3  }
0xd: {  	s6 =	sadd.s32 $0x2E00, s7;
	s7 =	sadd.s32 $0xCE00, s7;
	s8 =	sadd.s32 $0x41600, s8  }
.LBB2_1:
0xe: {  	[tilespmem:s3], [sflag:$0x2] =	stream.linear.gather [hbm4b:s6+s3], $0x2800, $0x38;
	[tilespmem:$0x1D000] =	vst v63  }
0xf: {  	_ =	swait.ge [sflag:s10], $0x2800  }
0x10: {  	[sflag:s10] =	ssyncset.done $0x0  }
0x11: {  	[sflag:s10] =	ssyncadd.s32 $0xFFFFD800  }
0x12: {  	[tilespmem:s11], [sflag:$0x2] =	stream.linear.gather [hbm4b:s7+s3], $0x2800, $0x38;
	[tilespmem:$0x1D000] =	vst v63  }
0x13: {  	_ =	swait.ge [sflag:s10], $0x2800  }
0x14: {  	[sflag:s10] =	ssyncset.done $0x0  }
0x15: {  	[sflag:s10] =	ssyncadd.s32 $0xFFFFD800  }
0x16: {  	[spmem:s13], [sflag:s12] =	dma.local [hbm:s5], $0x2800  }
0x17: {  	_ =	swait.ge [sflag:s10], $0x2800  }
0x18: {  	[sflag:s10] =	ssyncset.done $0x0  }
0x19: {  	[sflag:s10] =	ssyncadd.s32 $0xFFFFD800  }
0x1a: {  	s18 =	simm.s32 $0x0;
	[bflag:$0x0] =	sbarrier.arrive $0xFFFF  }
0x1b: {  	[tilespmem:s15], [sflag:$0x1] =	stream.indirect.gather [hbm4b:s4+s14], $0x80, s18, s14, $0xb8;
	[tilespmem:$0x1D000] =	vst v63  }
0x1c: {  	_ =	swait.ge [sflag:s16], $0x4000  }
0x1d: {  	[sflag:s16] =	ssyncset.done $0x0  }
0x1e: {  	s31 =	simm.s32 $0x2800;
	[sflag:s16] =	ssyncadd.s32 $0xFFFFC000  }
0x1f: {  	[spmem:s2] =	stream.indirect.scatter.add.f32 [tilespmem:s15], [sflag:$0x2], $0x80, s31, s14, $0xb8;
	[tilespmem:$0x1D000] =	vst v63  }
0x20: {  	_ =	swait.ge [sflag:s10], $0x4000  }
0x21: {  	s19 =	simm.s32 $0x400;
	s18 =	simm.s32 $0x200;
	[sflag:s10] =	ssyncset.done $0x0  }
.LBB2_2:
0x22: {  	s20 =	sshra.s32 s18, $0x2  }
0x23: {  	[sflag:s10] =	ssyncadd.s32 $0xFFFFC000;
	s18 =	smov.u32 s19;
	s21 =	sadd.s32 $0x200, s19  }
0x24: {  	[tilespmem:s15], [sflag:$0x1] =	stream.indirect.gather [hbm4b:s4+s14], $0x80, s20, s14, $0xb8;
	[tilespmem:$0x1D000] =	vst v63  }
0x25: {  	p0 =	sne.s32 s19, $0x9E00;
	_ =	swait.ge [sflag:s16], $0x4000  }
.Ltmp0:
0x26: {  	[sflag:s16] =	ssyncset.done $0x0;
	(pc) =	sbr.rel @p0 .LBB2_2-.Ltmp0, $4  }
0x27: {  	s19 =	sadd.s32 $0x2800, s20;
	[sflag:s16] =	ssyncadd.s32 $0xFFFFC000  }
0x28: {  	[spmem:s2] =	stream.indirect.scatter.add.f32 [tilespmem:s15], [sflag:$0x2], $0x80, s19, s14, $0xb8;
	[tilespmem:$0x1D000] =	vst v63  }
0x29: {  	_ =	swait.ge [sflag:s10], $0x4000  }
0x2a: {  	s19 =	smov.u32 s21;
	[sflag:s10] =	ssyncset.done $0x0  }
0x2b: {  	s18 =	sshra.s32 s18, $0x2;
	[sflag:s10] =	ssyncadd.s32 $0xFFFFC000  }
0x2c: {  	[tilespmem:s15], [sflag:$0x1] =	stream.indirect.gather [hbm4b:s4+s14], $0x80, s18, s14, $0xb8;
	[tilespmem:$0x1D000] =	vst v63  }
0x2d: {  	_ =	swait.ge [sflag:s16], $0x4000  }
0x2e: {  	[sflag:s16] =	ssyncset.done $0x0  }
0x2f: {  	s18 =	sadd.s32 $0x2800, s18;
	[sflag:s16] =	ssyncadd.s32 $0xFFFFC000  }
0x30: {  	[spmem:s2] =	stream.indirect.scatter.add.f32 [tilespmem:s15], [sflag:$0x2], $0x80, s18, s14, $0xb8;
	[tilespmem:$0x1D000] =	vst v63  }
0x31: {  	_ =	swait.ge [sflag:s10], $0x4000  }
0x32: {  	s17 =	sadd.s32 $0x1, s17;
	[sflag:s10] =	ssyncset.done $0x0  }
0x33: {  	p0 =	sne.s32 s17, s9;
	[sflag:s10] =	ssyncadd.s32 $0xFFFFC000  }
.Ltmp1:
0x34: {  	[bflag:$0x0] =	sbarrier.arrive $0xFFFF;
	(pc) =	sbr.rel @p0 .LBB2_1-.Ltmp1, $4  }
0x35: {  	[hbm:s8], [sflag:s12] =	dma.local [spmem:s13], $0x2800  }
0x36: {  	_ =	swait.ge [sflag:s10], $0x2800  }
0x37: {  	[sflag:s10] =	ssyncset.done $0x0  }
0x38: {  	[sflag:s10] =	ssyncadd.s32 $0xFFFFD800  }
0x39: {  	_ =	sfence.sel $0x180000  }
0x3a: {  	[bflag:$0x0] =	sbarrier.arrive $0xFFFF  }
0x3b: {  	p0 =	sne.s32 s0, $0x0;
	_ =	strace $0x9000004A  }
0x3c: {  	s0 =	sadd.s32 @!p0 $0x100000, s1;
	[bflag:$0x2] =	sbarrier.arrive $0xFFFF  }
0x3d: {  	[sflag:s0] =	ssyncadd.tile.s32 @!p0 $0x1;
	_ =	shalt  }
.Lfunc_end2:
_tile_overlayer_lowered:
.L_overlay_start_2:
0x3e: {  	(tag) =	ssettag $0x2  }
0x3f: {  	s0 =	rddreg [dreg:$0x0];
	s2 =	stileid.u32  }
0x40: {  	s1 =	rddreg [dreg:$0x1];
	p0 =	sne.s32 s2, $0x0  }
0x41: {  	s3 =	rddreg [dreg:$0x2];
	[bflag:$0x3] =	sbarrier.arrive $0xFFFF;
	s2 =	simm.s32 @!p0 $0x1C02  }
0x42: {  	[timem:s3], [sflag:s2] =	dma.local @!p0 [hbm:s0], s1  }
0x43: {  	s0 =	simm.s32 @!p0 $0x2  }
0x44: {  	_ =	swait.ge @!p0 [sflag:s0], s1  }
0x45: {  	s1 =	ssub.s32 @!p0 $0x0, s1;
	[sflag:s0] =	ssyncset.done @!p0 $0x0  }
0x46: {  	[sflag:s0] =	ssyncadd.s32 @!p0 s1  }
0x47: {  	[bflag:$0x3] =	sbarrier.arrive $0xFFFF  }
0x48: {  	_ =	shalt  }

// kernel: kernel.14.cloned.1.call-start
scs
__scs_entry_jumppad:
0x0: {  	(pc) =	sbr.rel $0x88, $3  }
0x1: {  	(tag) =	ssettag $0x0;
	lr =	simm.s32 $0x1  }
0x2: {  	[smem:$0x3F93] =	sst lr;
	_ =	strace $0xD0000000  }
0x3: {  	_ = 	snop  }
0x4: {  	_ = 	snop  }
0x5: {  	_ = 	snop  }
0x6: {  	_ = 	snop  }
0x7: {  	_ = 	snop  }
__scs_overlays_trampoline_lowered:
0x8: {  	[smem:$0x3FA2] =	sst s0  }
0x9: {  	[smem:$0x3FA3] =	sst s1  }
0xa: {  	[smem:$0x3FA4] =	sst s2  }
0xb: {  	[smem:$0x3FA5] =	sst s3  }
0xc: {  	[smem:$0x3FA6] =	sst s4  }
0xd: {  	[smem:$0x3FA7] =	sst s5  }
0xe: {  	[smem:$0x3FA8] =	sst s6  }
0xf: {  	[smem:$0x3FA9] =	sst s7  }
0x10: {  	[smem:$0x3FAA] =	sst s8  }
0x11: {  	[smem:$0x3FAB] =	sst s9;
	s0 =	simm.s32 @!p0 $0x0  }
0x12: {  	s1 =	sld [smem:$0x3F91];
	s0 =	simm.s32 @p0 $0x1  }
0x13: {  	[smem:$0x3FAC] =	sst s0;
	s0 =	simm.s32 @!p1 $0x0  }
0x14: {  	s2 =	sld [smem:$0x3F90];
	s0 =	simm.s32 @p1 $0x1  }
0x15: {  	[smem:$0x3FAD] =	sst s0;
	s0 =	simm.s32 @!p2 $0x0  }
0x16: {  	s3 =	sld [smem:$0x3FDB];
	s0 =	simm.s32 @p2 $0x1  }
0x17: {  	s4 =	simm.s32 $0x1BF5;
	[smem:$0x3FAF] =	sst s0  }
0x18: {  	s0 =	sld [smem:$0x3F92];
	_ =	swait.ge [sflag:s4], $0x0  }
0x19: {  	s7 =	sld [smem:$0x3F93]  }
0x1a: {  	s8 =	sadd.s32 $0xFFFFE003, lr  }
0x1b: {  	s9 =	sadd.s32 $0xFFFFFEF7, lr;
	s5 =	simm.s32 $0xFFFFFFFF;
	p2 =	slt.u32 s8, $0xFFFFF086  }
0x1c: {  	p1 =	slt.u32 s9, $0xF7A;
	s5 =	simm.s32 @!p2 $0x0  }
0x1d: {  	s5 =	simm.s32 @p1 $0x1;
	p0 =	seq.s32 s7, s2  }
0x1e: {  	s7 =	smul.u32 @!p0 $0xF7A, s2;
	p2 =	seq.s32 @!p0 s5, $0x0  }
0x1f: {  	s9 =	smul.u32 $0xF7A, s1;
	s8 =	simm.s32 @!p0 $0x1BF5;
	p2 =	por !p2, p0  }
0x20: {  	[sflag:s8] =	ssyncset.s32 @!p0 $0xFFFFF086;
	s6 =	sadd.s32 @!p0 s3, s7;
	s7 =	simm.s32 @!p0 $0x108  }
0x21: {  	s3 =	sadd.s32 s3, s9;
	s6 =	sadd.s32 @!p0 $0x88, s6;
	s7 =	simm.s32 @p2 $0x1082  }
0x22: {  	[simem:s7], [sflag:s8] =	dma.local @!p0 [hbm:s6], $0xF7A  }
0x23: {  	s9 =	sor.u32 $0xD0000000, s2;
	s6 =	simm.s32 $0x108;
	_ =	swait.ge @!p0 [sflag:s8], $0x0  }
0x24: {  	s3 =	sadd.s32 $0x88, s3;
	s6 =	simm.s32 @!p1 $0x1082;
	[sflag:s4] =	ssyncset.s32 $0xFFFFF086  }
0x25: {  	[simem:s6], [sflag:s4] =	dma.local [hbm:s3], $0xF7A  }
0x26: {  	[smem:$0x3F93] =	sst s1;
	(tag) =	ssettag s2;
	_ =	strace s9  }
0x27: {  	s1 =	sld [smem:$0x3FA3]  }
0x28: {  	s2 =	sld [smem:$0x3FA4]  }
0x29: {  	s4 =	sld [smem:$0x3FA6]  }
0x2a: {  	p0 =	seq.s32 s5, $0x0;
	s5 =	sld [smem:$0x3FA7]  }
0x2b: {  	s6 =	sld [smem:$0x3FA8]  }
0x2c: {  	s7 =	sld [smem:$0x3FA9]  }
0x2d: {  	s3 =	simm.s32 $0x108;
	s8 =	sld [smem:$0x3FAA]  }
0x2e: {  	s3 =	simm.s32 @!p0 $0x1082;
	s9 =	sld [smem:$0x3FAB]  }
0x2f: {  	lr =	sadd.s32 s0, s3;
	s0 =	sld [smem:$0x3FA2]  }
0x30: {  	s3 =	sld [smem:$0x3FA5]  }
0x31: {  	[smem:$0x3FAE] =	sst s10  }
0x32: {  	s10 =	sld [smem:$0x3FAC];
	_ =	sdelay $0x3  }
0x33: {  	p0 =	seq.s32 s10, $0x1;
	s10 =	sld [smem:$0x3FAE];
	_ =	sdelay $0x3  }
0x34: {  	[smem:$0x3FAE] =	sst s10  }
0x35: {  	s10 =	sld [smem:$0x3FAD];
	_ =	sdelay $0x3  }
0x36: {  	p1 =	seq.s32 s10, $0x1;
	s10 =	sld [smem:$0x3FAE];
	_ =	sdelay $0x3  }
0x37: {  	[smem:$0x3FAE] =	sst s10  }
0x38: {  	s10 =	sld [smem:$0x3FAF]  }
0x39: {  	_ = 	snop;
	(pc) =	sbr.ind lr, $3  }
0x3a: {  	_ = 	snop  }
0x3b: {  	_ = 	snop  }
0x3c: {  	p2 =	seq.s32 s10, $0x1;
	s10 =	sld [smem:$0x3FAE]  }
0x3d: {  	_ =	shalt  }
0x3e: {  	_ =	shalt  }
0x3f: {  	_ =	shalt  }
0x40: {  	_ =	shalt  }
0x41: {  	_ =	shalt  }
0x42: {  	_ =	shalt  }
0x43: {  	_ =	shalt  }
0x44: {  	_ =	shalt  }
0x45: {  	_ =	shalt  }
0x46: {  	_ =	shalt  }
0x47: {  	_ =	shalt  }
0x48: {  	_ =	shalt  }
0x49: {  	_ =	shalt  }
0x4a: {  	_ =	shalt  }
0x4b: {  	_ =	shalt  }
0x4c: {  	_ =	shalt  }
0x4d: {  	_ =	shalt  }
0x4e: {  	_ =	shalt  }
0x4f: {  	_ =	shalt  }
0x50: {  	_ =	shalt  }
0x51: {  	_ =	shalt  }
0x52: {  	_ =	shalt  }
0x53: {  	_ =	shalt  }
0x54: {  	_ =	shalt  }
0x55: {  	_ =	shalt  }
0x56: {  	_ =	shalt  }
0x57: {  	_ =	shalt  }
0x58: {  	_ =	shalt  }
0x59: {  	_ =	shalt  }
0x5a: {  	_ =	shalt  }
0x5b: {  	_ =	shalt  }
0x5c: {  	_ =	shalt  }
0x5d: {  	_ =	shalt  }
0x5e: {  	_ =	shalt  }
0x5f: {  	_ =	shalt  }
0x60: {  	_ =	shalt  }
0x61: {  	_ =	shalt  }
0x62: {  	_ =	shalt  }
0x63: {  	_ =	shalt  }
0x64: {  	_ =	shalt  }
0x65: {  	_ =	shalt  }
0x66: {  	_ =	shalt  }
0x67: {  	_ =	shalt  }
0x68: {  	_ =	shalt  }
0x69: {  	_ =	shalt  }
0x6a: {  	_ =	shalt  }
0x6b: {  	_ =	shalt  }
0x6c: {  	_ =	shalt  }
0x6d: {  	_ =	shalt  }
0x6e: {  	_ =	shalt  }
0x6f: {  	_ =	shalt  }
0x70: {  	_ =	shalt  }
0x71: {  	_ =	shalt  }
0x72: {  	_ =	shalt  }
0x73: {  	_ =	shalt  }
0x74: {  	_ =	shalt  }
0x75: {  	_ =	shalt  }
0x76: {  	_ =	shalt  }
0x77: {  	_ =	shalt  }
0x78: {  	_ =	shalt  }
0x79: {  	_ =	shalt  }
0x7a: {  	_ =	shalt  }
0x7b: {  	_ =	shalt  }
0x7c: {  	_ =	shalt  }
0x7d: {  	_ =	shalt  }
0x7e: {  	_ =	shalt  }
0x7f: {  	_ =	shalt  }
0x80: {  	_ =	shalt  }
0x81: {  	_ =	shalt  }
0x82: {  	_ =	shalt  }
0x83: {  	_ =	shalt  }
0x84: {  	_ =	shalt  }
0x85: {  	_ =	shalt  }
0x86: {  	_ =	shalt  }
0x87: {  	_ =	shalt  }
.Lfunc_end0:
.L_simem_size_0:
called_computation.2_lowered:
.L_overlay_start_0:
0x88: {  	s2 =	sld [smem:$0x3FD9]  }
0x89: {  	s3 =	sld [smem:$0x3FFE];
	_ =	sdelay $0x1  }
0x8a: {  	s1 =	srdreg.scid  }
0x8b: {  	s0 =	sand.u32 $0x1, s1  }
0x8c: {  	s16 =	sshll.u32 s0, $0xA;
	s2 =	sadd.s32 s3, s2  }
0x8d: {  	s2 =	sadd.s32 s2, s16  }
0x8e: {  	[smem:$0x3FBA] =	sst s2  }
0x8f: {  	_ = 	snop  }
0x90: {  	(tm) =	ssettm $0x1  }
0x91: {  	s17 =	sld [smem:$0x3FFB];
	_ =	sdelay $0x3  }
0x92: {  	_ =	strace s17  }
0x93: {  	s2 =	sld [smem:$0x3FFC];
	_ =	sdelay $0x3  }
0x94: {  	_ =	strace s2  }
0x95: {  	s2 =	sld [smem:$0x3FFD];
	_ =	sdelay $0x3  }
0x96: {  	_ =	strace s2  }
0x97: {  	_ =	strace $0x8FFFFFFF  }
0x98: {  	s18 =	sld [smem:$0x3FDB];
	_ =	sdelay $0x1  }
0x99: {  	s19 =	simm.s32 $_scs_section_size  }
0x9a: {  	s4 =	simm.s32 $_size__tile_overlayer_lowered;
	s5 =	simm.s32 $_tile_overlayer_lowered  }
0x9b: {  	s22 =	simm.s32 $0x1BFF;
	s21 =	sshll.u32 s5, $0x1;
	s2 =	sadd.s32 s19, s18  }
0x9c: {  	s6 =	simm.s32 $0x0;
	s20 =	sshll.u32 s4, $0x1;
	s4 =	sadd.s32 s21, s2  }
0x9d: {  	[timem:s6], [sflag:s22] =	dma.local [hbm:s4], s20  }
0x9e: {  	_ =	swait.ge [sflag:s22], s20  }
0x9f: {  	s3 =	ssub.s32 $0x0, s20;
	[sflag:s22] =	ssyncset.done $0x0  }
0xa0: {  	[sflag:s22] =	ssyncadd.s32 s3;
	_ =	sdelay $0x1  }
0xa1: {  	s23 =	simm.s32 $0x1B8B  }
0xa2: {  	_ =	swait.ge [sflag:s23], $0x1  }
0xa3: {  	[sflag:s23] =	ssyncset.done $0x0  }
0xa4: {  	s25 =	simm.s32 $0x1B8E;
	s24 =	sld [smem:$0x3FFE];
	[sflag:s23] =	ssyncadd.s32 $0xFFFFFFFF  }
0xa5: {  	s26 =	simm.s32 $execute0_lowered;
	[smem:$0x3FD2] =	sst s25  }
0xa6: {  	s4 =	sshll.u32 s26, $0x1;
	_ =	strace $0x8000004C;
	[dreg:$0x1] =	wrdreg $0xFFFFFFFF  }
0xa7: {  	s28 =	simm.s32 $_size_execute0_lowered;
	s2 =	sadd.s32 s2, s4;
	[dreg:$0x0] =	wrdreg $0x0  }
0xa8: {  	s4 =	sshll.u32 s28, $0x1;
	[dreg:$0x2] =	wrdreg s2  }
0xa9: {  	[dreg:$0x3] =	wrdreg s4  }
0xaa: {  	[dreg:$0x4] =	wrdreg $0xC0  }
0xab: {  	_ =	task [dreg:s6], $0x5FFFF  }
0xac: {  	[dreg:$0x1] =	wrdreg $0xFFFFFFFF  }
0xad: {  	[dreg:$0x0] =	wrdreg $0x60  }
0xae: {  	[dreg:$0x2] =	wrdreg s24  }
0xaf: {  	[dreg:$0x3] =	wrdreg $0x90000  }
0xb0: {  	[dreg:$0x4] =	wrdreg $0x9  }
0xb1: {  	_ =	task.clear_ibuf [dreg:s6], $0x5FFFF;
	_ =	strace $0x9000004C  }
0xb2: {  	s29 =	simm.s32 $0x9;
	_ =	strace $0x8000004E  }
0xb3: {  	_ =	swait.ge [sflag:s29], $0x1  }
0xb4: {  	[sflag:s29] =	ssyncadd.s32 $0xFFFFFFFF  }
0xb5: {  	_ =	strace $0x9000004E  }
0xb6: {  	_ =	sfence  }
0xb7: {  	s30 =	sld [smem:$0x0];
	_ =	sdelay $0x2  }
0xb8: {  	s31 =	sshll.u32 s1, $0xD;
	s1 =	sshrl.u32 s1, $0x2  }
0xb9: {  	s3 =	sand.u32 $0x4000, s31;
	s1 =	sadd.s32 s1, s30  }
0xba: {  	s0 =	sor.u32 s3, s0;
	s1 =	sshll.u32 s1, $0x11  }
0xbb: {  	s0 =	sor.u32 s1, s0  }
0xbc: {  	s0 =	sadd.s32 $0x8F2B, s0  }
0xbd: {  	[sflag:s0] =	ssyncadd.remote.s32 $0x1  }
0xbe: {  	_ =	sfence.sel $0xFFFF  }
0xbf: {  	[dreg:$0x0] =	wrdreg $0xFFFFFFFF;
	(pc) =	sbr.abs _section_cstart, $3  }
0xc0: {  	[dreg:$0x1] =	wrdreg $0xFFFFFFFF  }
0xc1: {  	_ =	task.clear_ibuf [dreg:s6], $0x2FFFF;
	_ =	strace $0x9FFFFFFF  }
0xc2: {  	(tm) =	ssettm $0x7FFFFFFF  }
0xc3: {  	_ =	shalt  }
tec
execute0_lowered:
.L_overlay_start_1:
0x0: {  	(tag) =	ssettag $0x1  }
0x1: {  	s1 =	srdreg.scid;
	s6 =	rddreg [dreg:$0x0]  }
0x2: {  	s0 =	stileid.u32;
	s2 =	rddreg [dreg:$0x1];
	s3 =	simm.s32 $0x0  }
0x3: {  	s14 =	simm.s32 $0x80;
	s15 =	simm.s32 $0x5000;
	s16 =	simm.s32 $0x1  }
0x4: {  	s17 =	simm.s32 $0x0;
	s5 =	sand.u32 $0x1, s1;
	s1 =	rddreg [dreg:$0x2]  }
0x5: {  	s29 =	sshll.u32 s0, $0x1;
	[smem:$0x7FF] =	sst s3;
	s8 =	smul.u32 $0x2800, s0  }
0x6: {  	s11 =	smul.u32 $0x50000, s0;
	s12 =	sshll.u32 s0, $0x6;
	s4 =	sor.u32 s5, s29  }
0x7: {  	_ =	strace $0x8000004D;
	s9 =	smul.u32 $0x28000, s5;
	s10 =	ssub.s32 $0x2, s5  }
0x8: {  	s5 =	sadd.s32 $0x3EE00, s6;
	s12 =	sor.u32 $0x1C02, s12;
	s7 =	smul.u32 $0x500, s4  }
0x9: {  	s4 =	sadd.s32 $0x16E00, s6;
	s30 =	sshrl.u32 s10, $0x1;
	s31 =	sshrl.u32 s11, $0x2  }
0xa: {  	s11 =	simm.s32 $0x2800;
	s8 =	sadd.s32 s8, s9;
	s9 =	ssub.s32 s10, s30  }
0xb: {  	s13 =	sadd.s32 s31, s2;
	s10 =	simm.s32 $0x2;
	s7 =	sadd.s32 s7, s6  }
0xc: {  	s8 =	sadd.s32 s8, s6;
	s9 =	smax.u32 s9, $0x1;
	s13 =	sshrl.u32 s13, $0x3  }
0xd: {  	s6 =	sadd.s32 $0x2E00, s7;
	s7 =	sadd.s32 $0xCE00, s7;
	s8 =	sadd.s32 $0x41600, s8  }
.LBB2_1:
0xe: {  	[tilespmem:s3], [sflag:$0x2] =	stream.linear.gather [hbm4b:s6+s3], $0x2800, $0x38;
	[tilespmem:$0x1D000] =	vst v63  }
0xf: {  	_ =	swait.ge [sflag:s10], $0x2800  }
0x10: {  	[sflag:s10] =	ssyncset.done $0x0  }
0x11: {  	[sflag:s10] =	ssyncadd.s32 $0xFFFFD800  }
0x12: {  	[tilespmem:s11], [sflag:$0x2] =	stream.linear.gather [hbm4b:s7+s3], $0x2800, $0x38;
	[tilespmem:$0x1D000] =	vst v63  }
0x13: {  	_ =	swait.ge [sflag:s10], $0x2800  }
0x14: {  	[sflag:s10] =	ssyncset.done $0x0  }
0x15: {  	[sflag:s10] =	ssyncadd.s32 $0xFFFFD800  }
0x16: {  	[spmem:s13], [sflag:s12] =	dma.local [hbm:s5], $0x2800  }
0x17: {  	_ =	swait.ge [sflag:s10], $0x2800  }
0x18: {  	[sflag:s10] =	ssyncset.done $0x0  }
0x19: {  	[sflag:s10] =	ssyncadd.s32 $0xFFFFD800  }
0x1a: {  	s18 =	simm.s32 $0x0;
	[bflag:$0x0] =	sbarrier.arrive $0xFFFF  }
0x1b: {  	[tilespmem:s15], [sflag:$0x1] =	stream.indirect.gather [hbm4b:s4+s14], $0x80, s18, s14, $0xb8;
	[tilespmem:$0x1D000] =	vst v63  }
0x1c: {  	_ =	swait.ge [sflag:s16], $0x4000  }
0x1d: {  	[sflag:s16] =	ssyncset.done $0x0  }
0x1e: {  	s31 =	simm.s32 $0x2800;
	[sflag:s16] =	ssyncadd.s32 $0xFFFFC000  }
0x1f: {  	[spmem:s2] =	stream.indirect.scatter.add.f32 [tilespmem:s15], [sflag:$0x2], $0x80, s31, s14, $0xb8;
	[tilespmem:$0x1D000] =	vst v63  }
0x20: {  	_ =	swait.ge [sflag:s10], $0x4000  }
0x21: {  	s19 =	simm.s32 $0x400;
	s18 =	simm.s32 $0x200;
	[sflag:s10] =	ssyncset.done $0x0  }
.LBB2_2:
0x22: {  	s20 =	sshra.s32 s18, $0x2  }
0x23: {  	[sflag:s10] =	ssyncadd.s32 $0xFFFFC000;
	s18 =	smov.u32 s19;
	s21 =	sadd.s32 $0x200, s19  }
0x24: {  	[tilespmem:s15], [sflag:$0x1] =	stream.indirect.gather [hbm4b:s4+s14], $0x80, s20, s14, $0xb8;
	[tilespmem:$0x1D000] =	vst v63  }
0x25: {  	p0 =	sne.s32 s19, $0x9E00;
	_ =	swait.ge [sflag:s16], $0x4000  }
.Ltmp0:
0x26: {  	[sflag:s16] =	ssyncset.done $0x0;
	(pc) =	sbr.rel @p0 .LBB2_2-.Ltmp0, $4  }
0x27: {  	s19 =	sadd.s32 $0x2800, s20;
	[sflag:s16] =	ssyncadd.s32 $0xFFFFC000  }
0x28: {  	[spmem:s2] =	stream.indirect.scatter.add.f32 [tilespmem:s15], [sflag:$0x2], $0x80, s19, s14, $0xb8;
	[tilespmem:$0x1D000] =	vst v63  }
0x29: {  	_ =	swait.ge [sflag:s10], $0x4000  }
0x2a: {  	s19 =	smov.u32 s21;
	[sflag:s10] =	ssyncset.done $0x0  }
0x2b: {  	s18 =	sshra.s32 s18, $0x2;
	[sflag:s10] =	ssyncadd.s32 $0xFFFFC000  }
0x2c: {  	[tilespmem:s15], [sflag:$0x1] =	stream.indirect.gather [hbm4b:s4+s14], $0x80, s18, s14, $0xb8;
	[tilespmem:$0x1D000] =	vst v63  }
0x2d: {  	_ =	swait.ge [sflag:s16], $0x4000  }
0x2e: {  	[sflag:s16] =	ssyncset.done $0x0  }
0x2f: {  	s18 =	sadd.s32 $0x2800, s18;
	[sflag:s16] =	ssyncadd.s32 $0xFFFFC000  }
0x30: {  	[spmem:s2] =	stream.indirect.scatter.add.f32 [tilespmem:s15], [sflag:$0x2], $0x80, s18, s14, $0xb8;
	[tilespmem:$0x1D000] =	vst v63  }
0x31: {  	_ =	swait.ge [sflag:s10], $0x4000  }
0x32: {  	s17 =	sadd.s32 $0x1, s17;
	[sflag:s10] =	ssyncset.done $0x0  }
0x33: {  	p0 =	sne.s32 s17, s9;
	[sflag:s10] =	ssyncadd.s32 $0xFFFFC000  }
.Ltmp1:
0x34: {  	[bflag:$0x0] =	sbarrier.arrive $0xFFFF;
	(pc) =	sbr.rel @p0 .LBB2_1-.Ltmp1, $4  }
0x35: {  	[hbm:s8], [sflag:s12] =	dma.local [spmem:s13], $0x2800  }
0x36: {  	_ =	swait.ge [sflag:s10], $0x2800  }
0x37: {  	[sflag:s10] =	ssyncset.done $0x0  }
0x38: {  	[sflag:s10] =	ssyncadd.s32 $0xFFFFD800  }
0x39: {  	_ =	sfence.sel $0x180000  }
0x3a: {  	[bflag:$0x0] =	sbarrier.arrive $0xFFFF  }
0x3b: {  	p0 =	sne.s32 s0, $0x0;
	_ =	strace $0x9000004D  }
0x3c: {  	s0 =	sadd.s32 @!p0 $0x100000, s1;
	[bflag:$0x2] =	sbarrier.arrive $0xFFFF  }
0x3d: {  	[sflag:s0] =	ssyncadd.tile.s32 @!p0 $0x1;
	_ =	shalt  }
.Lfunc_end2:
_tile_overlayer_lowered:
.L_overlay_start_2:
0x3e: {  	(tag) =	ssettag $0x2  }
0x3f: {  	s0 =	rddreg [dreg:$0x0];
	s2 =	stileid.u32  }
0x40: {  	s1 =	rddreg [dreg:$0x1];
	p0 =	sne.s32 s2, $0x0  }
0x41: {  	s3 =	rddreg [dreg:$0x2];
	[bflag:$0x3] =	sbarrier.arrive $0xFFFF;
	s2 =	simm.s32 @!p0 $0x1C02  }
0x42: {  	[timem:s3], [sflag:s2] =	dma.local @!p0 [hbm:s0], s1  }
0x43: {  	s0 =	simm.s32 @!p0 $0x2  }
0x44: {  	_ =	swait.ge @!p0 [sflag:s0], s1  }
0x45: {  	s1 =	ssub.s32 @!p0 $0x0, s1;
	[sflag:s0] =	ssyncset.done @!p0 $0x0  }
0x46: {  	[sflag:s0] =	ssyncadd.s32 @!p0 s1  }
0x47: {  	[bflag:$0x3] =	sbarrier.arrive $0xFFFF  }
0x48: {  	_ =	shalt  }

// kernel: kernel.8.cloned.1.call-start
scs
__scs_entry_jumppad:
0x0: {  	(pc) =	sbr.rel $0x88, $3  }
0x1: {  	(tag) =	ssettag $0x0;
	lr =	simm.s32 $0x1  }
0x2: {  	[smem:$0x3F93] =	sst lr;
	_ =	strace $0xD0000000  }
0x3: {  	_ = 	snop  }
0x4: {  	_ = 	snop  }
0x5: {  	_ = 	snop  }
0x6: {  	_ = 	snop  }
0x7: {  	_ = 	snop  }
__scs_overlays_trampoline_lowered:
0x8: {  	[smem:$0x3FA2] =	sst s0  }
0x9: {  	[smem:$0x3FA3] =	sst s1  }
0xa: {  	[smem:$0x3FA4] =	sst s2  }
0xb: {  	[smem:$0x3FA5] =	sst s3  }
0xc: {  	[smem:$0x3FA6] =	sst s4  }
0xd: {  	[smem:$0x3FA7] =	sst s5  }
0xe: {  	[smem:$0x3FA8] =	sst s6  }
0xf: {  	[smem:$0x3FA9] =	sst s7  }
0x10: {  	[smem:$0x3FAA] =	sst s8  }
0x11: {  	[smem:$0x3FAB] =	sst s9;
	s0 =	simm.s32 @!p0 $0x0  }
0x12: {  	s1 =	sld [smem:$0x3F91];
	s0 =	simm.s32 @p0 $0x1  }
0x13: {  	[smem:$0x3FAC] =	sst s0;
	s0 =	simm.s32 @!p1 $0x0  }
0x14: {  	s2 =	sld [smem:$0x3F90];
	s0 =	simm.s32 @p1 $0x1  }
0x15: {  	[smem:$0x3FAD] =	sst s0;
	s0 =	simm.s32 @!p2 $0x0  }
0x16: {  	s3 =	sld [smem:$0x3FDB];
	s0 =	simm.s32 @p2 $0x1  }
0x17: {  	s4 =	simm.s32 $0x1BF5;
	[smem:$0x3FAF] =	sst s0  }
0x18: {  	s0 =	sld [smem:$0x3F92];
	_ =	swait.ge [sflag:s4], $0x0  }
0x19: {  	s7 =	sld [smem:$0x3F93]  }
0x1a: {  	s8 =	sadd.s32 $0xFFFFE003, lr  }
0x1b: {  	s9 =	sadd.s32 $0xFFFFFEF7, lr;
	s5 =	simm.s32 $0xFFFFFFFF;
	p2 =	slt.u32 s8, $0xFFFFF086  }
0x1c: {  	p1 =	slt.u32 s9, $0xF7A;
	s5 =	simm.s32 @!p2 $0x0  }
0x1d: {  	s5 =	simm.s32 @p1 $0x1;
	p0 =	seq.s32 s7, s2  }
0x1e: {  	s7 =	smul.u32 @!p0 $0xF7A, s2;
	p2 =	seq.s32 @!p0 s5, $0x0  }
0x1f: {  	s9 =	smul.u32 $0xF7A, s1;
	s8 =	simm.s32 @!p0 $0x1BF5;
	p2 =	por !p2, p0  }
0x20: {  	[sflag:s8] =	ssyncset.s32 @!p0 $0xFFFFF086;
	s6 =	sadd.s32 @!p0 s3, s7;
	s7 =	simm.s32 @!p0 $0x108  }
0x21: {  	s3 =	sadd.s32 s3, s9;
	s6 =	sadd.s32 @!p0 $0x88, s6;
	s7 =	simm.s32 @p2 $0x1082  }
0x22: {  	[simem:s7], [sflag:s8] =	dma.local @!p0 [hbm:s6], $0xF7A  }
0x23: {  	s9 =	sor.u32 $0xD0000000, s2;
	s6 =	simm.s32 $0x108;
	_ =	swait.ge @!p0 [sflag:s8], $0x0  }
0x24: {  	s3 =	sadd.s32 $0x88, s3;
	s6 =	simm.s32 @!p1 $0x1082;
	[sflag:s4] =	ssyncset.s32 $0xFFFFF086  }
0x25: {  	[simem:s6], [sflag:s4] =	dma.local [hbm:s3], $0xF7A  }
0x26: {  	[smem:$0x3F93] =	sst s1;
	(tag) =	ssettag s2;
	_ =	strace s9  }
0x27: {  	s1 =	sld [smem:$0x3FA3]  }
0x28: {  	s2 =	sld [smem:$0x3FA4]  }
0x29: {  	s4 =	sld [smem:$0x3FA6]  }
0x2a: {  	p0 =	seq.s32 s5, $0x0;
	s5 =	sld [smem:$0x3FA7]  }
0x2b: {  	s6 =	sld [smem:$0x3FA8]  }
0x2c: {  	s7 =	sld [smem:$0x3FA9]  }
0x2d: {  	s3 =	simm.s32 $0x108;
	s8 =	sld [smem:$0x3FAA]  }
0x2e: {  	s3 =	simm.s32 @!p0 $0x1082;
	s9 =	sld [smem:$0x3FAB]  }
0x2f: {  	lr =	sadd.s32 s0, s3;
	s0 =	sld [smem:$0x3FA2]  }
0x30: {  	s3 =	sld [smem:$0x3FA5]  }
0x31: {  	[smem:$0x3FAE] =	sst s10  }
0x32: {  	s10 =	sld [smem:$0x3FAC];
	_ =	sdelay $0x3  }
0x33: {  	p0 =	seq.s32 s10, $0x1;
	s10 =	sld [smem:$0x3FAE];
	_ =	sdelay $0x3  }
0x34: {  	[smem:$0x3FAE] =	sst s10  }
0x35: {  	s10 =	sld [smem:$0x3FAD];
	_ =	sdelay $0x3  }
0x36: {  	p1 =	seq.s32 s10, $0x1;
	s10 =	sld [smem:$0x3FAE];
	_ =	sdelay $0x3  }
0x37: {  	[smem:$0x3FAE] =	sst s10  }
0x38: {  	s10 =	sld [smem:$0x3FAF]  }
0x39: {  	_ = 	snop;
	(pc) =	sbr.ind lr, $3  }
0x3a: {  	_ = 	snop  }
0x3b: {  	_ = 	snop  }
0x3c: {  	p2 =	seq.s32 s10, $0x1;
	s10 =	sld [smem:$0x3FAE]  }
0x3d: {  	_ =	shalt  }
0x3e: {  	_ =	shalt  }
0x3f: {  	_ =	shalt  }
0x40: {  	_ =	shalt  }
0x41: {  	_ =	shalt  }
0x42: {  	_ =	shalt  }
0x43: {  	_ =	shalt  }
0x44: {  	_ =	shalt  }
0x45: {  	_ =	shalt  }
0x46: {  	_ =	shalt  }
0x47: {  	_ =	shalt  }
0x48: {  	_ =	shalt  }
0x49: {  	_ =	shalt  }
0x4a: {  	_ =	shalt  }
0x4b: {  	_ =	shalt  }
0x4c: {  	_ =	shalt  }
0x4d: {  	_ =	shalt  }
0x4e: {  	_ =	shalt  }
0x4f: {  	_ =	shalt  }
0x50: {  	_ =	shalt  }
0x51: {  	_ =	shalt  }
0x52: {  	_ =	shalt  }
0x53: {  	_ =	shalt  }
0x54: {  	_ =	shalt  }
0x55: {  	_ =	shalt  }
0x56: {  	_ =	shalt  }
0x57: {  	_ =	shalt  }
0x58: {  	_ =	shalt  }
0x59: {  	_ =	shalt  }
0x5a: {  	_ =	shalt  }
0x5b: {  	_ =	shalt  }
0x5c: {  	_ =	shalt  }
0x5d: {  	_ =	shalt  }
0x5e: {  	_ =	shalt  }
0x5f: {  	_ =	shalt  }
0x60: {  	_ =	shalt  }
0x61: {  	_ =	shalt  }
0x62: {  	_ =	shalt  }
0x63: {  	_ =	shalt  }
0x64: {  	_ =	shalt  }
0x65: {  	_ =	shalt  }
0x66: {  	_ =	shalt  }
0x67: {  	_ =	shalt  }
0x68: {  	_ =	shalt  }
0x69: {  	_ =	shalt  }
0x6a: {  	_ =	shalt  }
0x6b: {  	_ =	shalt  }
0x6c: {  	_ =	shalt  }
0x6d: {  	_ =	shalt  }
0x6e: {  	_ =	shalt  }
0x6f: {  	_ =	shalt  }
0x70: {  	_ =	shalt  }
0x71: {  	_ =	shalt  }
0x72: {  	_ =	shalt  }
0x73: {  	_ =	shalt  }
0x74: {  	_ =	shalt  }
0x75: {  	_ =	shalt  }
0x76: {  	_ =	shalt  }
0x77: {  	_ =	shalt  }
0x78: {  	_ =	shalt  }
0x79: {  	_ =	shalt  }
0x7a: {  	_ =	shalt  }
0x7b: {  	_ =	shalt  }
0x7c: {  	_ =	shalt  }
0x7d: {  	_ =	shalt  }
0x7e: {  	_ =	shalt  }
0x7f: {  	_ =	shalt  }
0x80: {  	_ =	shalt  }
0x81: {  	_ =	shalt  }
0x82: {  	_ =	shalt  }
0x83: {  	_ =	shalt  }
0x84: {  	_ =	shalt  }
0x85: {  	_ =	shalt  }
0x86: {  	_ =	shalt  }
0x87: {  	_ =	shalt  }
.Lfunc_end0:
.L_simem_size_0:
called_computation_lowered:
.L_overlay_start_0:
0x88: {  	s2 =	sld [smem:$0x3FD9]  }
0x89: {  	s3 =	sld [smem:$0x3FFE];
	_ =	sdelay $0x1  }
0x8a: {  	s1 =	srdreg.scid  }
0x8b: {  	s0 =	sand.u32 $0x1, s1  }
0x8c: {  	s16 =	sshll.u32 s0, $0xA;
	s2 =	sadd.s32 s3, s2  }
0x8d: {  	s2 =	sadd.s32 s2, s16  }
0x8e: {  	[smem:$0x3FBA] =	sst s2  }
0x8f: {  	_ = 	snop  }
0x90: {  	(tm) =	ssettm $0x1  }
0x91: {  	s17 =	sld [smem:$0x3FFB];
	_ =	sdelay $0x3  }
0x92: {  	_ =	strace s17  }
0x93: {  	s2 =	sld [smem:$0x3FFC];
	_ =	sdelay $0x3  }
0x94: {  	_ =	strace s2  }
0x95: {  	s2 =	sld [smem:$0x3FFD];
	_ =	sdelay $0x3  }
0x96: {  	_ =	strace s2  }
0x97: {  	_ =	strace $0x8FFFFFFF  }
0x98: {  	s18 =	sld [smem:$0x3FDB];
	_ =	sdelay $0x1  }
0x99: {  	s19 =	simm.s32 $_scs_section_size  }
0x9a: {  	s4 =	simm.s32 $_size__tile_overlayer_lowered;
	s5 =	simm.s32 $_tile_overlayer_lowered  }
0x9b: {  	s22 =	simm.s32 $0x1BFF;
	s21 =	sshll.u32 s5, $0x1;
	s2 =	sadd.s32 s19, s18  }
0x9c: {  	s6 =	simm.s32 $0x0;
	s20 =	sshll.u32 s4, $0x1;
	s4 =	sadd.s32 s21, s2  }
0x9d: {  	[timem:s6], [sflag:s22] =	dma.local [hbm:s4], s20  }
0x9e: {  	_ =	swait.ge [sflag:s22], s20  }
0x9f: {  	s3 =	ssub.s32 $0x0, s20;
	[sflag:s22] =	ssyncset.done $0x0  }
0xa0: {  	[sflag:s22] =	ssyncadd.s32 s3;
	_ =	sdelay $0x1  }
0xa1: {  	s23 =	simm.s32 $0x1B8B  }
0xa2: {  	_ =	swait.ge [sflag:s23], $0x1  }
0xa3: {  	[sflag:s23] =	ssyncset.done $0x0  }
0xa4: {  	s25 =	simm.s32 $0x1B8E;
	s24 =	sld [smem:$0x3FFE];
	[sflag:s23] =	ssyncadd.s32 $0xFFFFFFFF  }
0xa5: {  	s26 =	simm.s32 $execute0_lowered;
	[smem:$0x3FD2] =	sst s25  }
0xa6: {  	s4 =	sshll.u32 s26, $0x1;
	_ =	strace $0x80000046;
	[dreg:$0x1] =	wrdreg $0xFFFFFFFF  }
0xa7: {  	s28 =	simm.s32 $_size_execute0_lowered;
	s2 =	sadd.s32 s2, s4;
	[dreg:$0x0] =	wrdreg $0x0  }
0xa8: {  	s4 =	sshll.u32 s28, $0x1;
	[dreg:$0x2] =	wrdreg s2  }
0xa9: {  	[dreg:$0x3] =	wrdreg s4  }
0xaa: {  	[dreg:$0x4] =	wrdreg $0xC0  }
0xab: {  	_ =	task [dreg:s6], $0x5FFFF  }
0xac: {  	[dreg:$0x1] =	wrdreg $0xFFFFFFFF  }
0xad: {  	[dreg:$0x0] =	wrdreg $0x60  }
0xae: {  	[dreg:$0x2] =	wrdreg s24  }
0xaf: {  	[dreg:$0x3] =	wrdreg $0x90000  }
0xb0: {  	[dreg:$0x4] =	wrdreg $0x9  }
0xb1: {  	_ =	task.clear_ibuf [dreg:s6], $0x5FFFF;
	_ =	strace $0x90000046  }
0xb2: {  	s29 =	simm.s32 $0x9;
	_ =	strace $0x80000048  }
0xb3: {  	_ =	swait.ge [sflag:s29], $0x1  }
0xb4: {  	[sflag:s29] =	ssyncadd.s32 $0xFFFFFFFF  }
0xb5: {  	_ =	strace $0x90000048  }
0xb6: {  	_ =	sfence  }
0xb7: {  	s30 =	sld [smem:$0x0];
	_ =	sdelay $0x2  }
0xb8: {  	s31 =	sshll.u32 s1, $0xD;
	s1 =	sshrl.u32 s1, $0x2  }
0xb9: {  	s3 =	sand.u32 $0x4000, s31;
	s1 =	sadd.s32 s1, s30  }
0xba: {  	s0 =	sor.u32 s3, s0;
	s1 =	sshll.u32 s1, $0x11  }
0xbb: {  	s0 =	sor.u32 s1, s0  }
0xbc: {  	s0 =	sadd.s32 $0x8F2B, s0  }
0xbd: {  	[sflag:s0] =	ssyncadd.remote.s32 $0x1  }
0xbe: {  	_ =	sfence.sel $0xFFFF  }
0xbf: {  	[dreg:$0x0] =	wrdreg $0xFFFFFFFF;
	(pc) =	sbr.abs _section_cstart, $3  }
0xc0: {  	[dreg:$0x1] =	wrdreg $0xFFFFFFFF  }
0xc1: {  	_ =	task.clear_ibuf [dreg:s6], $0x2FFFF;
	_ =	strace $0x9FFFFFFF  }
0xc2: {  	(tm) =	ssettm $0x7FFFFFFF  }
0xc3: {  	_ =	shalt  }
tec
execute0_lowered:
.L_overlay_start_1:
0x0: {  	(tag) =	ssettag $0x1  }
0x1: {  	s1 =	srdreg.scid;
	s6 =	rddreg [dreg:$0x0]  }
0x2: {  	s0 =	stileid.u32;
	s2 =	rddreg [dreg:$0x1];
	s3 =	simm.s32 $0x0  }
0x3: {  	s14 =	simm.s32 $0x80;
	s15 =	simm.s32 $0x5000;
	s16 =	simm.s32 $0x1  }
0x4: {  	s17 =	simm.s32 $0x0;
	s5 =	sand.u32 $0x1, s1;
	s1 =	rddreg [dreg:$0x2]  }
0x5: {  	s29 =	sshll.u32 s0, $0x1;
	[smem:$0x7FF] =	sst s3;
	s8 =	smul.u32 $0x2800, s0  }
0x6: {  	s11 =	smul.u32 $0x50000, s0;
	s12 =	sshll.u32 s0, $0x6;
	s4 =	sor.u32 s5, s29  }
0x7: {  	_ =	strace $0x80000047;
	s9 =	smul.u32 $0x28000, s5;
	s10 =	ssub.s32 $0x2, s5  }
0x8: {  	s5 =	sadd.s32 $0x3EE00, s6;
	s12 =	sor.u32 $0x1C02, s12;
	s7 =	smul.u32 $0x500, s4  }
0x9: {  	s4 =	sadd.s32 $0x16E00, s6;
	s30 =	sshrl.u32 s10, $0x1;
	s31 =	sshrl.u32 s11, $0x2  }
0xa: {  	s11 =	simm.s32 $0x2800;
	s8 =	sadd.s32 s8, s9;
	s9 =	ssub.s32 s10, s30  }
0xb: {  	s13 =	sadd.s32 s31, s2;
	s10 =	simm.s32 $0x2;
	s7 =	sadd.s32 s7, s6  }
0xc: {  	s8 =	sadd.s32 s8, s6;
	s9 =	smax.u32 s9, $0x1;
	s13 =	sshrl.u32 s13, $0x3  }
0xd: {  	s6 =	sadd.s32 $0x2E00, s7;
	s7 =	sadd.s32 $0xCE00, s7;
	s8 =	sadd.s32 $0x41600, s8  }
.LBB2_1:
0xe: {  	[tilespmem:s3], [sflag:$0x2] =	stream.linear.gather [hbm4b:s6+s3], $0x2800, $0x38;
	[tilespmem:$0x1D000] =	vst v63  }
0xf: {  	_ =	swait.ge [sflag:s10], $0x2800  }
0x10: {  	[sflag:s10] =	ssyncset.done $0x0  }
0x11: {  	[sflag:s10] =	ssyncadd.s32 $0xFFFFD800  }
0x12: {  	[tilespmem:s11], [sflag:$0x2] =	stream.linear.gather [hbm4b:s7+s3], $0x2800, $0x38;
	[tilespmem:$0x1D000] =	vst v63  }
0x13: {  	_ =	swait.ge [sflag:s10], $0x2800  }
0x14: {  	[sflag:s10] =	ssyncset.done $0x0  }
0x15: {  	[sflag:s10] =	ssyncadd.s32 $0xFFFFD800  }
0x16: {  	[spmem:s13], [sflag:s12] =	dma.local [hbm:s5], $0x2800  }
0x17: {  	_ =	swait.ge [sflag:s10], $0x2800  }
0x18: {  	[sflag:s10] =	ssyncset.done $0x0  }
0x19: {  	[sflag:s10] =	ssyncadd.s32 $0xFFFFD800  }
0x1a: {  	s18 =	simm.s32 $0x0;
	[bflag:$0x0] =	sbarrier.arrive $0xFFFF  }
0x1b: {  	[tilespmem:s15], [sflag:$0x1] =	stream.indirect.gather [hbm4b:s4+s14], $0x80, s18, s14, $0xb8;
	[tilespmem:$0x1D000] =	vst v63  }
0x1c: {  	_ =	swait.ge [sflag:s16], $0x4000  }
0x1d: {  	[sflag:s16] =	ssyncset.done $0x0  }
0x1e: {  	s31 =	simm.s32 $0x2800;
	[sflag:s16] =	ssyncadd.s32 $0xFFFFC000  }
0x1f: {  	[spmem:s2] =	stream.indirect.scatter.add.f32 [tilespmem:s15], [sflag:$0x2], $0x80, s31, s14, $0xb8;
	[tilespmem:$0x1D000] =	vst v63  }
0x20: {  	_ =	swait.ge [sflag:s10], $0x4000  }
0x21: {  	s19 =	simm.s32 $0x400;
	s18 =	simm.s32 $0x200;
	[sflag:s10] =	ssyncset.done $0x0  }
.LBB2_2:
0x22: {  	s20 =	sshra.s32 s18, $0x2  }
0x23: {  	[sflag:s10] =	ssyncadd.s32 $0xFFFFC000;
	s18 =	smov.u32 s19;
	s21 =	sadd.s32 $0x200, s19  }
0x24: {  	[tilespmem:s15], [sflag:$0x1] =	stream.indirect.gather [hbm4b:s4+s14], $0x80, s20, s14, $0xb8;
	[tilespmem:$0x1D000] =	vst v63  }
0x25: {  	p0 =	sne.s32 s19, $0x9E00;
	_ =	swait.ge [sflag:s16], $0x4000  }
.Ltmp0:
0x26: {  	[sflag:s16] =	ssyncset.done $0x0;
	(pc) =	sbr.rel @p0 .LBB2_2-.Ltmp0, $4  }
0x27: {  	s19 =	sadd.s32 $0x2800, s20;
	[sflag:s16] =	ssyncadd.s32 $0xFFFFC000  }
0x28: {  	[spmem:s2] =	stream.indirect.scatter.add.f32 [tilespmem:s15], [sflag:$0x2], $0x80, s19, s14, $0xb8;
	[tilespmem:$0x1D000] =	vst v63  }
0x29: {  	_ =	swait.ge [sflag:s10], $0x4000  }
0x2a: {  	s19 =	smov.u32 s21;
	[sflag:s10] =	ssyncset.done $0x0  }
0x2b: {  	s18 =	sshra.s32 s18, $0x2;
	[sflag:s10] =	ssyncadd.s32 $0xFFFFC000  }
0x2c: {  	[tilespmem:s15], [sflag:$0x1] =	stream.indirect.gather [hbm4b:s4+s14], $0x80, s18, s14, $0xb8;
	[tilespmem:$0x1D000] =	vst v63  }
0x2d: {  	_ =	swait.ge [sflag:s16], $0x4000  }
0x2e: {  	[sflag:s16] =	ssyncset.done $0x0  }
0x2f: {  	s18 =	sadd.s32 $0x2800, s18;
	[sflag:s16] =	ssyncadd.s32 $0xFFFFC000  }
0x30: {  	[spmem:s2] =	stream.indirect.scatter.add.f32 [tilespmem:s15], [sflag:$0x2], $0x80, s18, s14, $0xb8;
	[tilespmem:$0x1D000] =	vst v63  }
0x31: {  	_ =	swait.ge [sflag:s10], $0x4000  }
0x32: {  	s17 =	sadd.s32 $0x1, s17;
	[sflag:s10] =	ssyncset.done $0x0  }
0x33: {  	p0 =	sne.s32 s17, s9;
	[sflag:s10] =	ssyncadd.s32 $0xFFFFC000  }
.Ltmp1:
0x34: {  	[bflag:$0x0] =	sbarrier.arrive $0xFFFF;
	(pc) =	sbr.rel @p0 .LBB2_1-.Ltmp1, $4  }
0x35: {  	[hbm:s8], [sflag:s12] =	dma.local [spmem:s13], $0x2800  }
0x36: {  	_ =	swait.ge [sflag:s10], $0x2800  }
0x37: {  	[sflag:s10] =	ssyncset.done $0x0  }
0x38: {  	[sflag:s10] =	ssyncadd.s32 $0xFFFFD800  }
0x39: {  	_ =	sfence.sel $0x180000  }
0x3a: {  	[bflag:$0x0] =	sbarrier.arrive $0xFFFF  }
0x3b: {  	p0 =	sne.s32 s0, $0x0;
	_ =	strace $0x90000047  }
0x3c: {  	s0 =	sadd.s32 @!p0 $0x100000, s1;
	[bflag:$0x2] =	sbarrier.arrive $0xFFFF  }
0x3d: {  	[sflag:s0] =	ssyncadd.tile.s32 @!p0 $0x1;
	_ =	shalt  }
.Lfunc_end2:
_tile_overlayer_lowered:
.L_overlay_start_2:
0x3e: {  	(tag) =	ssettag $0x2  }
0x3f: {  	s0 =	rddreg [dreg:$0x0];
	s2 =	stileid.u32  }
0x40: {  	s1 =	rddreg [dreg:$0x1];
	p0 =	sne.s32 s2, $0x0  }
0x41: {  	s3 =	rddreg [dreg:$0x2];
	[bflag:$0x3] =	sbarrier.arrive $0xFFFF;
	s2 =	simm.s32 @!p0 $0x1C02  }
0x42: {  	[timem:s3], [sflag:s2] =	dma.local @!p0 [hbm:s0], s1  }
0x43: {  	s0 =	simm.s32 @!p0 $0x2  }
0x44: {  	_ =	swait.ge @!p0 [sflag:s0], s1  }
0x45: {  	s1 =	ssub.s32 @!p0 $0x0, s1;
	[sflag:s0] =	ssyncset.done @!p0 $0x0  }
0x46: {  	[sflag:s0] =	ssyncadd.s32 @!p0 s1  }
0x47: {  	[bflag:$0x3] =	sbarrier.arrive $0xFFFF  }
0x48: {  	_ =	shalt  }

</sc_bundles>
